<compile_context>
chip_gen: v7x
topology: tpu7x:2x2x1
jax: 0.10.2.dev20260603
libtpu: 0.0.44.dev20260713+nightly
codegen_flags: <defaults>
</compile_context>

<pallas_src>
import functools

import jax
import jax.numpy as jnp
from jax import lax
from jax.experimental import pallas as pl
from jax.experimental.pallas import tpu as pltpu
from jax.experimental.pallas import tpu_sc as plsc

B = 10000
E = 320000
DV = 128
DE = 16
H = 4
DT = 2 * DV + DE
FF = H * DV

NC = 2
NS = 16
CHUNK = 128
NCHUNKS = E // CHUNK
BASE_CH = 39
REM_CH = 2
EH = E // 2
NCHUNKS_H = EH // CHUNK
SC_BASE = NCHUNKS_H // NS
SC_REM = NCHUNKS_H - SC_BASE * NS
STRIPE = 624
STRIPE_TAIL = B - STRIPE * NS

KE = 2000
GE = E // KE
KN = 1000
GN = B // KN


def _lrelu(x):
    return jnp.where(x >= 0, x, 0.2 * x)


def _sc_gather_body(node_hbm, idx1_hbm, idx2_hbm, g1_hbm, g2_hbm,
                    idx_v0, idx_v1, row_v0, row_v1,
                    isem0, isem1, gsem0, gsem1, wsem0, wsem1):
    cid = lax.axis_index("c")
    sid = lax.axis_index("s")
    wid = sid * NC + cid
    NW = NC * NS
    idx_v = (idx_v0, idx_v1)
    row_v = (row_v0, row_v1)
    isem = (isem0, isem1)
    gsem = (gsem0, gsem1)
    wsem = (wsem0, wsem1)
    npair = BASE_CH // 2

    for idx_hbm, out_hbm in ((idx1_hbm, g1_hbm), (idx2_hbm, g2_hbm)):
        def load_idx(p, j):
            base = (j * NW + wid) * CHUNK
            pltpu.async_copy(idx_hbm.at[pl.ds(base, CHUNK)], idx_v[p], isem[p])

        load_idx(0, 0)
        load_idx(1, 1)

        def body(jj, _):
            for p in (0, 1):
                pltpu.make_async_copy(idx_hbm.at[pl.ds(0, CHUNK)],
                                      idx_v[p], isem[p]).wait()

                @pl.when(jj > 0)
                def _():
                    base = ((2 * jj + p - 2) * NW + wid) * CHUNK
                    pltpu.make_async_copy(row_v[p], out_hbm.at[pl.ds(base, CHUNK)],
                                          wsem[p]).wait()
                pltpu.async_copy(node_hbm.at[idx_v[p]], row_v[p], gsem[p])
            for p in (0, 1):
                pltpu.make_async_copy(node_hbm.at[idx_v[p]], row_v[p],
                                      gsem[p]).wait()
                base = ((2 * jj + p) * NW + wid) * CHUNK
                pltpu.async_copy(row_v[p], out_hbm.at[pl.ds(base, CHUNK)], wsem[p])
                load_idx(p, jnp.minimum(2 * jj + p + 2, BASE_CH - 1))
            return 0

        lax.fori_loop(0, npair, body, 0)
        for p in (0, 1):
            base = ((2 * npair - 2 + p) * NW + wid) * CHUNK
            pltpu.make_async_copy(row_v[p], out_hbm.at[pl.ds(base, CHUNK)],
                                  wsem[p]).wait()
            pltpu.make_async_copy(idx_hbm.at[pl.ds(0, CHUNK)],
                                  idx_v[p], isem[p]).wait()

        def tail(j):
            base = (j * NW + wid) * CHUNK
            pltpu.sync_copy(idx_hbm.at[pl.ds(base, CHUNK)], idx_v0)
            pltpu.async_copy(node_hbm.at[idx_v0], row_v0, gsem0).wait()
            pltpu.sync_copy(row_v0, out_hbm.at[pl.ds(base, CHUNK)])

        tail(2 * npair)

        @pl.when(wid < REM_CH)
        def _():
            tail(BASE_CH)


@functools.partial(jax.jit, static_argnames=())
def _sc_gather(node_fea, idx1, idx2):
    mesh = plsc.VectorSubcoreMesh(core_axis_name="c", subcore_axis_name="s",
                                  num_cores=NC, num_subcores=NS)
    return pl.kernel(
        _sc_gather_body,
        name="sc_gather",
        out_type=(jax.ShapeDtypeStruct((EH, DV), jnp.float32),
                  jax.ShapeDtypeStruct((EH, DV), jnp.float32)),
        mesh=mesh,
        scratch_types=[
            pltpu.VMEM((CHUNK,), jnp.int32),
            pltpu.VMEM((CHUNK,), jnp.int32),
            pltpu.VMEM((CHUNK, DV), jnp.float32),
            pltpu.VMEM((CHUNK, DV), jnp.float32),
            pltpu.SemaphoreType.DMA,
            pltpu.SemaphoreType.DMA,
            pltpu.SemaphoreType.DMA,
            pltpu.SemaphoreType.DMA,
            pltpu.SemaphoreType.DMA,
            pltpu.SemaphoreType.DMA,
        ],
    )(node_fea, idx1, idx2)


def _tc1_body(g1, g2, ef, w1a, w1b, w1c, b1, w2, b2, w3, b3,
              h_out, st_out):
    i = pl.program_id(0)
    x = jnp.dot(g1[...], w1a[...], preferred_element_type=jnp.float32)
    x += jnp.dot(g2[...], w1b[...], preferred_element_type=jnp.float32)
    x += jnp.dot(ef[...], w1c[...], preferred_element_type=jnp.float32)
    x = _lrelu(x + b1[...])
    x = _lrelu(jnp.dot(x, w2[...], preferred_element_type=jnp.float32) + b2[...])
    h = jnp.dot(x, w3[...], preferred_element_type=jnp.float32) + b3[...]
    h_out[...] = h

    @pl.when(i == 0)
    def _():
        st_out[...] = jnp.zeros_like(st_out)
    st_out[0:1, :] += jnp.sum(h, axis=0, keepdims=True)
    st_out[1:2, :] += jnp.sum(h * h, axis=0, keepdims=True)


def _tc1(g1, g2, edge_fea, pw, off):
    wspec = lambda shape: pl.BlockSpec(shape, lambda i: (0, 0))
    return pl.pallas_call(
        _tc1_body,
        grid=(GE // 2,),
        in_specs=[
            pl.BlockSpec((KE, DV), lambda i: (i, 0)),
            pl.BlockSpec((KE, DV), lambda i: (i, 0)),
            pl.BlockSpec((KE, DE), lambda i: (i + off, 0)),
            wspec((DV, DE)), wspec((DV, DE)), wspec((DE, DE)), wspec((1, DE)),
            wspec((DE, DE)), wspec((1, DE)),
            wspec((DE, DE)), wspec((1, DE)),
        ],
        out_specs=[
            pl.BlockSpec((KE, DE), lambda i: (i, 0)),
            pl.BlockSpec((2, DE), lambda i: (0, 0)),
        ],
        out_shape=[
            jax.ShapeDtypeStruct((EH, DE), jnp.float32),
            jax.ShapeDtypeStruct((2, DE), jnp.float32),
        ],
        compiler_params=pltpu.CompilerParams(
            dimension_semantics=("arbitrary",)),
    )(g1, g2, edge_fea, *pw)


def _tc2_body(g1, g2, h, ef, st_a, st_b, bnw, bnb,
              a1a, a1b, a1e, ab1, a2, ab2,
              m1a, m1b, m1e, mb1, m2, mb2,
              x_out, enew_out):
    st = st_a[...] + st_b[...]
    mean = st[0:1, :] * (1.0 / E)
    var = st[1:2, :] * (1.0 / E) - mean * mean
    inv = lax.rsqrt(var + 1e-5)
    scale = bnw[...] * inv
    shift = bnb[...] - mean * scale

    ek = h[...] * scale + shift
    enew_out[...] = ef[...] + ek

    pre = jnp.dot(g1[...], a1a[...], preferred_element_type=jnp.float32)
    pre += jnp.dot(g2[...], a1b[...], preferred_element_type=jnp.float32)
    pre += jnp.dot(ek, a1e[...], preferred_element_type=jnp.float32)
    a = _lrelu(pre + ab1[...])
    sij = jnp.dot(a, a2[...], preferred_element_type=jnp.float32) + ab2[...]
    ex = jnp.exp(sij)

    pre = jnp.dot(g1[...], m1a[...], preferred_element_type=jnp.float32)
    pre += jnp.dot(g2[...], m1b[...], preferred_element_type=jnp.float32)
    pre += jnp.dot(ek, m1e[...], preferred_element_type=jnp.float32)
    m = _lrelu(pre + mb1[...])
    mij = jnp.dot(m, m2[...], preferred_element_type=jnp.float32) + mb2[...]
    exm = ex * mij

    for g in range(H):
        x_out[g, :, :] = ex[:, g * DV:(g + 1) * DV]
        x_out[H + g, :, :] = exm[:, g * DV:(g + 1) * DV]


def _tc2(g1, g2, h, edge_fea, st_a, st_b, pw, off):
    wspec = lambda shape: pl.BlockSpec(shape, lambda i: (0, 0))
    return pl.pallas_call(
        _tc2_body,
        grid=(GE // 2,),
        in_specs=[
            pl.BlockSpec((KE, DV), lambda i: (i, 0)),
            pl.BlockSpec((KE, DV), lambda i: (i, 0)),
            pl.BlockSpec((KE, DE), lambda i: (i, 0)),
            pl.BlockSpec((KE, DE), lambda i: (i + off, 0)),
            wspec((2, DE)), wspec((2, DE)), wspec((1, DE)), wspec((1, DE)),
            wspec((DV, DV)), wspec((DV, DV)), wspec((DE, DV)), wspec((1, DV)),
            wspec((DV, FF)), wspec((1, FF)),
            wspec((DV, DV)), wspec((DV, DV)), wspec((DE, DV)), wspec((1, DV)),
            wspec((DV, FF)), wspec((1, FF)),
        ],
        out_specs=[
            pl.BlockSpec((2 * H, KE, DV), lambda i: (0, i, 0)),
            pl.BlockSpec((KE, DE), lambda i: (i, 0)),
        ],
        out_shape=[
            jax.ShapeDtypeStruct((2 * H, EH, DV), jnp.float32),
            jax.ShapeDtypeStruct((EH, DE), jnp.float32),
        ],
        compiler_params=pltpu.CompilerParams(
            dimension_semantics=("arbitrary",)),
    )(g1, g2, h, edge_fea, st_a, st_b, *pw)


def _sc_scatter_body(x_hbm, idx_hbm, zeros_hbm, dn_hbm,
                     idx_v0, idx_v1, data_v0, data_v1, acc,
                     isem0, isem1, dsem0, dsem1, ssem0, ssem1):
    cid = lax.axis_index("c")
    sid = lax.axis_index("s")
    idx_v = (idx_v0, idx_v1)
    data_v = (data_v0, data_v1)
    isem = (isem0, isem1)
    dsem = (dsem0, dsem1)
    ssem = (ssem0, ssem1)
    npair = SC_BASE // 2

    for k in range(H):
        g = cid * H + k
        pltpu.sync_copy(zeros_hbm, acc.at[pl.ds(sid * STRIPE, STRIPE)])

        @pl.when(sid == NS - 1)
        def _():
            pltpu.sync_copy(zeros_hbm.at[pl.ds(0, STRIPE_TAIL)],
                            acc.at[pl.ds(STRIPE * NS, STRIPE_TAIL)])
        plsc.subcore_barrier()

        def load(p, j):
            base = (j * NS + sid) * CHUNK
            pltpu.async_copy(idx_hbm.at[pl.ds(base, CHUNK)], idx_v[p], isem[p])
            pltpu.async_copy(x_hbm.at[g, pl.ds(base, CHUNK)], data_v[p], dsem[p])

        def wait_load(p):
            pltpu.make_async_copy(idx_hbm.at[pl.ds(0, CHUNK)],
                                  idx_v[p], isem[p]).wait()
            pltpu.make_async_copy(x_hbm.at[g, pl.ds(0, CHUNK)],
                                  data_v[p], dsem[p]).wait()

        load(0, 0)
        load(1, 1)

        def body(jj, _):
            wait_load(0)
            pltpu.async_copy(data_v0, acc.at[idx_v0], ssem0, add=True)
            wait_load(1)
            pltpu.async_copy(data_v1, acc.at[idx_v1], ssem1, add=True)
            pltpu.make_async_copy(data_v0, acc.at[idx_v0], ssem0).wait()
            load(0, jnp.minimum(2 * jj + 2, SC_BASE - 1))
            pltpu.make_async_copy(data_v1, acc.at[idx_v1], ssem1).wait()
            load(1, jnp.minimum(2 * jj + 3, SC_BASE - 1))
            return 0

        lax.fori_loop(0, npair, body, 0)
        wait_load(0)
        wait_load(1)

        @pl.when(sid < SC_REM)
        def _():
            base = (SC_BASE * NS + sid) * CHUNK
            pltpu.sync_copy(idx_hbm.at[pl.ds(base, CHUNK)], idx_v0)
            pltpu.sync_copy(x_hbm.at[g, pl.ds(base, CHUNK)], data_v0)
            pltpu.sync_copy(data_v0, acc.at[idx_v0], add=True)
        plsc.subcore_barrier()

        pltpu.sync_copy(acc.at[pl.ds(sid * STRIPE, STRIPE)],
                        dn_hbm.at[g, pl.ds(sid * STRIPE, STRIPE)])

        @pl.when(sid == NS - 1)
        def _():
            pltpu.sync_copy(acc.at[pl.ds(STRIPE * NS, STRIPE_TAIL)],
                            dn_hbm.at[g, pl.ds(STRIPE * NS, STRIPE_TAIL)])
        plsc.subcore_barrier()


def _sc_scatter(x, idx1, zeros):
    mesh = plsc.VectorSubcoreMesh(core_axis_name="c", subcore_axis_name="s",
                                  num_cores=NC, num_subcores=NS)
    return pl.kernel(
        _sc_scatter_body,
        name="sc_scatter",
        out_type=jax.ShapeDtypeStruct((2 * H, B, DV), jnp.float32),
        mesh=mesh,
        scratch_types=[
            pltpu.VMEM((CHUNK,), jnp.int32),
            pltpu.VMEM((CHUNK,), jnp.int32),
            pltpu.VMEM((CHUNK, DV), jnp.float32),
            pltpu.VMEM((CHUNK, DV), jnp.float32),
            pltpu.VMEM_SHARED((B, DV), jnp.float32),
            pltpu.SemaphoreType.DMA,
            pltpu.SemaphoreType.DMA,
            pltpu.SemaphoreType.DMA,
            pltpu.SemaphoreType.DMA,
            pltpu.SemaphoreType.DMA,
            pltpu.SemaphoreType.DMA,
        ],
    )(x, idx1, zeros)


def _tc3a_body(dna, dnb, wo, wob, y_out, st_out):
    i = pl.program_id(0)
    cols = []
    for g in range(H):
        den = dna[g, :, :] + dnb[g, :, :]
        num = dna[H + g, :, :] + dnb[H + g, :, :]
        cols.append(jnp.where(den > 0, num / den, 0.0))
    msg = jnp.concatenate(cols, axis=1)
    y = jnp.dot(msg, wo[...], preferred_element_type=jnp.float32) + wob[...]
    y_out[...] = y

    @pl.when(i == 0)
    def _():
        st_out[...] = jnp.zeros_like(st_out)
    st_out[0:1, :] += jnp.sum(y, axis=0, keepdims=True)
    st_out[1:2, :] += jnp.sum(y * y, axis=0, keepdims=True)


def _tc3a(dna, dnb, woT, wob):
    wspec = lambda shape: pl.BlockSpec(shape, lambda i: (0, 0))
    return pl.pallas_call(
        _tc3a_body,
        grid=(GN,),
        in_specs=[
            pl.BlockSpec((2 * H, KN, DV), lambda i: (0, i, 0)),
            pl.BlockSpec((2 * H, KN, DV), lambda i: (0, i, 0)),
            wspec((FF, DV)), wspec((1, DV)),
        ],
        out_specs=[
            pl.BlockSpec((KN, DV), lambda i: (i, 0)),
            pl.BlockSpec((2, DV), lambda i: (0, 0)),
        ],
        out_shape=[
            jax.ShapeDtypeStruct((B, DV), jnp.float32),
            jax.ShapeDtypeStruct((2, DV), jnp.float32),
        ],
        compiler_params=pltpu.CompilerParams(
            dimension_semantics=("arbitrary",)),
    )(dna, dnb, woT, wob)


def _tc3b_body(y, node, st, bnw, bnb, out):
    mean = st[0:1, :] * (1.0 / B)
    var = st[1:2, :] * (1.0 / B) - mean * mean
    inv = lax.rsqrt(var + 1e-5)
    scale = bnw[...] * inv
    shift = bnb[...] - mean * scale
    out[...] = node[...] + y[...] * scale + shift


def _tc3b(y, node_fea, stats, bnw, bnb):
    wspec = lambda shape: pl.BlockSpec(shape, lambda i: (0, 0))
    return pl.pallas_call(
        _tc3b_body,
        grid=(GN,),
        in_specs=[
            pl.BlockSpec((KN, DV), lambda i: (i, 0)),
            pl.BlockSpec((KN, DV), lambda i: (i, 0)),
            wspec((2, DV)), wspec((1, DV)), wspec((1, DV)),
        ],
        out_specs=pl.BlockSpec((KN, DV), lambda i: (i, 0)),
        out_shape=jax.ShapeDtypeStruct((B, DV), jnp.float32),
        compiler_params=pltpu.CompilerParams(
            dimension_semantics=("arbitrary",)),
    )(y, node_fea, stats, bnw, bnb)


def kernel(node_fea, idx1, idx2, edge_fea,
           pe_w1, pe_b1, pe_w2, pe_b2, pe_w3, pe_b3,
           fa_w1, fa_b1, fa_w2, fa_b2,
           fm_w1, fm_b1, fm_w2, fm_b2,
           wo_w, wo_b, bn1_w, bn1_b, bn2_w, bn2_b):
    f32 = jnp.float32
    idx1 = idx1.astype(jnp.int32)
    idx2 = idx2.astype(jnp.int32)

    g1a, g2a = _sc_gather(node_fea, idx1[:EH], idx2[:EH])
    g1b, g2b = _sc_gather(node_fea, idx1[EH:], idx2[EH:])

    pe = (pe_w1[:, :DV].T, pe_w1[:, DV:2 * DV].T, pe_w1[:, 2 * DV:].T,
          pe_b1.reshape(1, DE),
          pe_w2.T, pe_b2.reshape(1, DE),
          pe_w3.T, pe_b3.reshape(1, DE))
    h_a, st_a = _tc1(g1a, g2a, edge_fea, pe, 0)
    h_b, st_b = _tc1(g1b, g2b, edge_fea, pe, GE // 2)

    mw = (fa_w1[:, :DV].T, fa_w1[:, DV:2 * DV].T, fa_w1[:, 2 * DV:].T,
          fa_b1.reshape(1, DV), fa_w2.T, fa_b2.reshape(1, FF),
          fm_w1[:, :DV].T, fm_w1[:, DV:2 * DV].T, fm_w1[:, 2 * DV:].T,
          fm_b1.reshape(1, DV), fm_w2.T, fm_b2.reshape(1, FF))
    pw2 = (bn1_w.reshape(1, DE), bn1_b.reshape(1, DE)) + mw
    x_a, enew_a = _tc2(g1a, g2a, h_a, edge_fea, st_a, st_b, pw2, 0)
    x_b, enew_b = _tc2(g1b, g2b, h_b, edge_fea, st_a, st_b, pw2, GE // 2)
    edge_new = jnp.concatenate([enew_a, enew_b], axis=0)

    zeros = jnp.zeros((STRIPE, DV), f32)
    dn_a = _sc_scatter(x_a, idx1[:EH], zeros)
    dn_b = _sc_scatter(x_b, idx1[EH:], zeros)

    y, stats2 = _tc3a(dn_a, dn_b, wo_w.T, wo_b.reshape(1, DV))
    node_new = _tc3b(y, node_fea, stats2,
                     bn2_w.reshape(1, DV), bn2_b.reshape(1, DV))
    return (node_new, edge_new)

# --- scband reference (transcript-rebuilt; emitter-appended) ---
"""Pipeline reference for scband-attention-head-15161234555430 (READ-ONLY COPY).

The authoritative reference and input builder live on the scoring server;
editing this copy changes nothing except your own understanding.
"""

import jax, jax.numpy as jnp
import numpy as np

B = 10000
E = 320000
DV = 128
DE = 16
H = 4
DT = 2 * DV + DE
FF = H * DV


def setup_inputs(seed: int = 0) -> dict:
    key = jax.random.key(seed)
    ks = jax.random.split(key, 24)
    def nrm(k, shape, s=0.05):
        return jax.random.normal(k, shape, dtype=jnp.float32) * s
    inp = {}
    inp['node_fea'] = jax.random.normal(ks[0], (B, DV), dtype=jnp.float32)
    inp['idx1'] = jax.random.randint(ks[1], (E,), 0, B)
    inp['idx2'] = jax.random.randint(ks[2], (E,), 0, B)
    inp['edge_fea'] = jax.random.normal(ks[3], (E, DE), dtype=jnp.float32)
    # phi_e: Linear(DT,DE) -> LReLU -> Linear(DE,DE) -> LReLU -> Linear(DE,DE)
    inp['pe_w1'] = nrm(ks[4], (DE, DT)); inp['pe_b1'] = jnp.zeros((DE,), jnp.float32)
    inp['pe_w2'] = nrm(ks[5], (DE, DE)); inp['pe_b2'] = jnp.zeros((DE,), jnp.float32)
    inp['pe_w3'] = nrm(ks[6], (DE, DE)); inp['pe_b3'] = jnp.zeros((DE,), jnp.float32)
    # FCNNa: Linear(DT,DV) -> LReLU -> Linear(DV, DV*H)
    inp['fa_w1'] = nrm(ks[7], (DV, DT)); inp['fa_b1'] = jnp.zeros((DV,), jnp.float32)
    inp['fa_w2'] = nrm(ks[8], (FF, DV)); inp['fa_b2'] = jnp.zeros((FF,), jnp.float32)
    # FCNNm: Linear(DT,DV) -> LReLU -> Linear(DV, DV*H)
    inp['fm_w1'] = nrm(ks[9], (DV, DT)); inp['fm_b1'] = jnp.zeros((DV,), jnp.float32)
    inp['fm_w2'] = nrm(ks[10], (FF, DV)); inp['fm_b2'] = jnp.zeros((FF,), jnp.float32)
    # Wout: Linear(DV*H, DV)
    inp['wo_w'] = nrm(ks[11], (DV, FF)); inp['wo_b'] = jnp.zeros((DV,), jnp.float32)
    # BatchNorm affine params (training-mode batch stats used in reference)
    inp['bn1_w'] = jnp.ones((DE,), jnp.float32); inp['bn1_b'] = jnp.zeros((DE,), jnp.float32)
    inp['bn2_w'] = jnp.ones((DV,), jnp.float32); inp['bn2_b'] = jnp.zeros((DV,), jnp.float32)
    return inp


def _lrelu(x):
    return jnp.where(x >= 0, x, 0.2 * x)


def _bn(x, w, b):
    m = jnp.mean(x, axis=0)
    v = jnp.var(x, axis=0)
    return (x - m) / jnp.sqrt(v + 1e-5) * w + b


def reference(node_fea, idx1, idx2, edge_fea,
              pe_w1, pe_b1, pe_w2, pe_b2, pe_w3, pe_b3,
              fa_w1, fa_b1, fa_w2, fa_b2,
              fm_w1, fm_b1, fm_w2, fm_b2,
              wo_w, wo_b, bn1_w, bn1_b, bn2_w, bn2_b):
    node1 = node_fea[idx1]
    node2 = node_fea[idx2]
    z = jnp.concatenate([node1, node2, edge_fea], axis=1)
    h = _lrelu(z @ pe_w1.T + pe_b1)
    h = _lrelu(h @ pe_w2.T + pe_b2)
    h = h @ pe_w3.T + pe_b3
    ek_prime = _bn(h, bn1_w, bn1_b)
    edge_new = edge_fea + ek_prime
    Nt = E
    z2 = jnp.concatenate([node1, node2, ek_prime], axis=1)
    sij = (_lrelu(z2 @ fa_w1.T + fa_b1) @ fa_w2.T + fa_b2).reshape(Nt, H, DV)
    # scatter_softmax over edges grouped by idx1
    smax = jax.ops.segment_max(sij, idx1, num_segments=B)
    ex = jnp.exp(sij - smax[idx1])
    den = jax.ops.segment_sum(ex, idx1, num_segments=B)
    aij = ex / den[idx1]
    mij = (_lrelu(z2 @ fm_w1.T + fm_b1) @ fm_w2.T + fm_b2).reshape(Nt, H, DV)
    msg_ = (aij * mij).reshape(Nt, FF)
    msg = jax.ops.segment_sum(msg_, idx1, num_segments=B)
    msg = msg @ wo_w.T + wo_b  # n_head > 1
    node_new = node_fea + _bn(msg, bn2_w, bn2_b)
    return (node_new, edge_new)

if __name__ == "__main__":
    import jax
    _d = setup_inputs()
    print(jax.jit(kernel)(*tuple(_d.values())))

</pallas_src>

<mosaic_0001>
#map = affine_map<(d0, d1) -> (0, 0)>
#map1 = affine_map<(d0, d1) -> (0)>
module attributes {stable_mosaic.version = 14 : i64} {
  func.func @sc_gather(%arg0: i32, %arg1: i32, %arg2: memref<10000x128xf32, #tpu.memory_space<hbm>>, %arg3: memref<160000xi32, #tpu.memory_space<hbm>>, %arg4: memref<160000xi32, #tpu.memory_space<hbm>>, %arg5: memref<160000x128xf32, #tpu.memory_space<hbm>>, %arg6: memref<160000x128xf32, #tpu.memory_space<hbm>>, %arg7: memref<128xi32, #tpu.memory_space<vmem>>, %arg8: memref<128xi32, #tpu.memory_space<vmem>>, %arg9: memref<128x128xf32, #tpu.memory_space<vmem>>, %arg10: memref<128x128xf32, #tpu.memory_space<vmem>>, %arg11: memref<!tpu.dma_semaphore, #tpu.memory_space<semaphore_mem>>, %arg12: memref<!tpu.dma_semaphore, #tpu.memory_space<semaphore_mem>>, %arg13: memref<!tpu.dma_semaphore, #tpu.memory_space<semaphore_mem>>, %arg14: memref<!tpu.dma_semaphore, #tpu.memory_space<semaphore_mem>>, %arg15: memref<!tpu.dma_semaphore, #tpu.memory_space<semaphore_mem>>, %arg16: memref<!tpu.dma_semaphore, #tpu.memory_space<semaphore_mem>>) attributes {dimension_semantics = [#tpu.dimension_semantics<core_parallel>, #tpu.dimension_semantics<subcore_parallel>], iteration_bounds = array<i64: 2, 16>, scalar_prefetch = 0 : i64, scratch_operands = 10 : i64, tpu.core_type = #tpu.core_type<sc_vector_subcore>, window_params = [{transform_indices = #map}, {transform_indices = #map1}, {transform_indices = #map1}, {transform_indices = #map}, {transform_indices = #map}]} {
    %mul3A = arith.constant 2 : i32
    %mul3A_0 = arith.muli %arg1, %mul3A : i32
    %add3A = arith.addi %mul3A_0, %arg0 : i32
    %add3A_1 = arith.constant 0 : i32
    %add3A_2 = arith.addi %add3A_1, %add3A : i32
    %mul3A_3 = arith.constant 128 : i32
    %mul3A_4 = arith.muli %add3A_2, %mul3A_3 : i32
    %dma_start3A = tpu.memref_slice %arg3[%mul3A_4] : memref<160000xi32, #tpu.memory_space<hbm>> -> memref<128xi32, #tpu.memory_space<hbm>>
    %dma_start3A_5 = tpu.memref_slice %arg3[%mul3A_4] : memref<160000xi32, #tpu.memory_space<hbm>> -> memref<128xi32, #tpu.memory_space<hbm>>
    tpu.enqueue_dma source(%dma_start3A_5 : memref<128xi32, #tpu.memory_space<hbm>>) target(%arg7 : memref<128xi32, #tpu.memory_space<vmem>>) target_semaphore(%arg11 : memref<!tpu.dma_semaphore, #tpu.memory_space<semaphore_mem>>)
    %add3A_6 = arith.constant 32 : i32
    %add3A_7 = arith.addi %add3A_6, %add3A : i32
    %mul3A_8 = arith.constant 128 : i32
    %mul3A_9 = arith.muli %add3A_7, %mul3A_8 : i32
    %dma_start3A_10 = tpu.memref_slice %arg3[%mul3A_9] : memref<160000xi32, #tpu.memory_space<hbm>> -> memref<128xi32, #tpu.memory_space<hbm>>
    %dma_start3A_11 = tpu.memref_slice %arg3[%mul3A_9] : memref<160000xi32, #tpu.memory_space<hbm>> -> memref<128xi32, #tpu.memory_space<hbm>>
    tpu.enqueue_dma source(%dma_start3A_11 : memref<128xi32, #tpu.memory_space<hbm>>) target(%arg8 : memref<128xi32, #tpu.memory_space<vmem>>) target_semaphore(%arg12 : memref<!tpu.dma_semaphore, #tpu.memory_space<semaphore_mem>>)
    %scan3A = arith.constant 0 : i32
    %scan3A_12 = arith.constant 0 : i32
    %scan3A_13 = arith.constant 19 : i32
    %scan3A_14 = arith.addi %scan3A_12, %scan3A_13 : i32
    %scan3A_15 = arith.constant 1 : i32
    %scan3A_16 = scf.for %scan3A_111 = %scan3A_12 to %scan3A_14 step %scan3A_15 iter_args(%scan3A_112 = %scan3A) -> (i32)  : i32 {
      %dma_wait3A_113 = arith.constant 0 : i32
      %dma_wait3A_114 = tpu.memref_slice %arg3[%dma_wait3A_113] : memref<160000xi32, #tpu.memory_space<hbm>> -> memref<128xi32, #tpu.memory_space<hbm>>
      %dma_wait3A_115 = arith.constant 0 : i32
      %dma_wait3A_116 = tpu.memref_slice %arg3[%dma_wait3A_115] : memref<160000xi32, #tpu.memory_space<hbm>> -> memref<128xi32, #tpu.memory_space<hbm>>
      tpu.wait_dma2 semaphore(%arg11 : memref<!tpu.dma_semaphore, #tpu.memory_space<semaphore_mem>>) src(%dma_wait3A_116 : memref<128xi32, #tpu.memory_space<hbm>>) dst(%arg7 : memref<128xi32, #tpu.memory_space<vmem>>)
      %gt3A = arith.constant 0 : i32
      %gt3A_117 = arith.cmpi sgt, %scan3A_111, %gt3A : i32
      %convert_element_type3A_118 = arith.extui %gt3A_117 : i1 to i32
      %cond3A_119 = arith.constant 0 : i32
      %cond3A_120 = arith.cmpi ne, %convert_element_type3A_118, %cond3A_119 : i32
      scf.if %cond3A_120 {
        %mul3A_198 = arith.constant 2 : i32
        %mul3A_199 = arith.muli %mul3A_198, %scan3A_111 : i32
        %add3A_200 = arith.constant 0 : i32
        %add3A_201 = arith.addi %mul3A_199, %add3A_200 : i32
        %sub3A = arith.constant 2 : i32
        %sub3A_202 = arith.subi %add3A_201, %sub3A : i32
        %mul3A_203 = arith.constant 32 : i32
        %mul3A_204 = arith.muli %sub3A_202, %mul3A_203 : i32
        %add3A_205 = arith.addi %mul3A_204, %add3A : i32
        %mul3A_206 = arith.constant 128 : i32
        %mul3A_207 = arith.muli %add3A_205, %mul3A_206 : i32
        %dma_wait3A_208 = arith.constant 0 : i32
        %dma_wait3A_209 = tpu.memref_slice %arg5[%mul3A_207, %dma_wait3A_208] : memref<160000x128xf32, #tpu.memory_space<hbm>> -> memref<128x128xf32, #tpu.memory_space<hbm>>
        %dma_wait3A_210 = arith.constant 0 : i32
        %dma_wait3A_211 = tpu.memref_slice %arg5[%mul3A_207, %dma_wait3A_210] : memref<160000x128xf32, #tpu.memory_space<hbm>> -> memref<128x128xf32, #tpu.memory_space<hbm>>
        tpu.wait_dma2 semaphore(%arg15 : memref<!tpu.dma_semaphore, #tpu.memory_space<semaphore_mem>>) src(%arg9 : memref<128x128xf32, #tpu.memory_space<vmem>>) dst(%dma_wait3A_211 : memref<128x128xf32, #tpu.memory_space<hbm>>)
      } else {
      }
      %dma_start3A_121 = arith.constant 0 : i32
      %dma_start3A_122 = arith.constant 0 : i32
      %dma_start3A_123 = tpu.memref_slice %arg2[%dma_start3A_121, %dma_start3A_122] : memref<10000x128xf32, #tpu.memory_space<hbm>> -> memref<10000x128xf32, #tpu.memory_space<hbm>>
      tpu.enqueue_indirect_dma source(%dma_start3A_123 : memref<10000x128xf32, #tpu.memory_space<hbm>>) target(%arg9 : memref<128x128xf32, #tpu.memory_space<vmem>>) offsets(%arg7 : memref<128xi32, #tpu.memory_space<vmem>>) semaphore(%arg13 : memref<!tpu.dma_semaphore, #tpu.memory_space<semaphore_mem>>)
      %dma_wait3A_124 = arith.constant 0 : i32
      %dma_wait3A_125 = tpu.memref_slice %arg3[%dma_wait3A_124] : memref<160000xi32, #tpu.memory_space<hbm>> -> memref<128xi32, #tpu.memory_space<hbm>>
      %dma_wait3A_126 = arith.constant 0 : i32
      %dma_wait3A_127 = tpu.memref_slice %arg3[%dma_wait3A_126] : memref<160000xi32, #tpu.memory_space<hbm>> -> memref<128xi32, #tpu.memory_space<hbm>>
      tpu.wait_dma2 semaphore(%arg12 : memref<!tpu.dma_semaphore, #tpu.memory_space<semaphore_mem>>) src(%dma_wait3A_127 : memref<128xi32, #tpu.memory_space<hbm>>) dst(%arg8 : memref<128xi32, #tpu.memory_space<vmem>>)
      %gt3A_128 = arith.constant 0 : i32
      %gt3A_129 = arith.cmpi sgt, %scan3A_111, %gt3A_128 : i32
      %convert_element_type3A_130 = arith.extui %gt3A_129 : i1 to i32
      %cond3A_131 = arith.constant 0 : i32
      %cond3A_132 = arith.cmpi ne, %convert_element_type3A_130, %cond3A_131 : i32
      scf.if %cond3A_132 {
        %mul3A_198 = arith.constant 2 : i32
        %mul3A_199 = arith.muli %mul3A_198, %scan3A_111 : i32
        %add3A_200 = arith.constant 1 : i32
        %add3A_201 = arith.addi %mul3A_199, %add3A_200 : i32
        %sub3A = arith.constant 2 : i32
        %sub3A_202 = arith.subi %add3A_201, %sub3A : i32
        %mul3A_203 = arith.constant 32 : i32
        %mul3A_204 = arith.muli %sub3A_202, %mul3A_203 : i32
        %add3A_205 = arith.addi %mul3A_204, %add3A : i32
        %mul3A_206 = arith.constant 128 : i32
        %mul3A_207 = arith.muli %add3A_205, %mul3A_206 : i32
        %dma_wait3A_208 = arith.constant 0 : i32
        %dma_wait3A_209 = tpu.memref_slice %arg5[%mul3A_207, %dma_wait3A_208] : memref<160000x128xf32, #tpu.memory_space<hbm>> -> memref<128x128xf32, #tpu.memory_space<hbm>>
        %dma_wait3A_210 = arith.constant 0 : i32
        %dma_wait3A_211 = tpu.memref_slice %arg5[%mul3A_207, %dma_wait3A_210] : memref<160000x128xf32, #tpu.memory_space<hbm>> -> memref<128x128xf32, #tpu.memory_space<hbm>>
        tpu.wait_dma2 semaphore(%arg16 : memref<!tpu.dma_semaphore, #tpu.memory_space<semaphore_mem>>) src(%arg10 : memref<128x128xf32, #tpu.memory_space<vmem>>) dst(%dma_wait3A_211 : memref<128x128xf32, #tpu.memory_space<hbm>>)
      } else {
      }
      %dma_start3A_133 = arith.constant 0 : i32
      %dma_start3A_134 = arith.constant 0 : i32
      %dma_start3A_135 = tpu.memref_slice %arg2[%dma_start3A_133, %dma_start3A_134] : memref<10000x128xf32, #tpu.memory_space<hbm>> -> memref<10000x128xf32, #tpu.memory_space<hbm>>
      tpu.enqueue_indirect_dma source(%dma_start3A_135 : memref<10000x128xf32, #tpu.memory_space<hbm>>) target(%arg10 : memref<128x128xf32, #tpu.memory_space<vmem>>) offsets(%arg8 : memref<128xi32, #tpu.memory_space<vmem>>) semaphore(%arg14 : memref<!tpu.dma_semaphore, #tpu.memory_space<semaphore_mem>>)
      %dma_wait3A_136 = arith.constant 0 : i32
      %dma_wait3A_137 = arith.constant 0 : i32
      %dma_wait3A_138 = tpu.memref_slice %arg2[%dma_wait3A_136, %dma_wait3A_137] : memref<10000x128xf32, #tpu.memory_space<hbm>> -> memref<10000x128xf32, #tpu.memory_space<hbm>>
      tpu.wait_indirect_dma semaphore(%arg13 : memref<!tpu.dma_semaphore, #tpu.memory_space<semaphore_mem>>) src(%dma_wait3A_138 : memref<10000x128xf32, #tpu.memory_space<hbm>>) dst(%arg9 : memref<128x128xf32, #tpu.memory_space<vmem>>)
      %mul3A_139 = arith.constant 2 : i32
      %mul3A_140 = arith.muli %mul3A_139, %scan3A_111 : i32
      %add3A_141 = arith.constant 0 : i32
      %add3A_142 = arith.addi %mul3A_140, %add3A_141 : i32
      %mul3A_143 = arith.constant 32 : i32
      %mul3A_144 = arith.muli %add3A_142, %mul3A_143 : i32
      %add3A_145 = arith.addi %mul3A_144, %add3A : i32
      %mul3A_146 = arith.constant 128 : i32
      %mul3A_147 = arith.muli %add3A_145, %mul3A_146 : i32
      %dma_start3A_148 = arith.constant 0 : i32
      %dma_start3A_149 = tpu.memref_slice %arg5[%mul3A_147, %dma_start3A_148] : memref<160000x128xf32, #tpu.memory_space<hbm>> -> memref<128x128xf32, #tpu.memory_space<hbm>>
      %dma_start3A_150 = arith.constant 0 : i32
      %dma_start3A_151 = tpu.memref_slice %arg5[%mul3A_147, %dma_start3A_150] : memref<160000x128xf32, #tpu.memory_space<hbm>> -> memref<128x128xf32, #tpu.memory_space<hbm>>
      tpu.enqueue_dma source(%arg9 : memref<128x128xf32, #tpu.memory_space<vmem>>) target(%dma_start3A_151 : memref<128x128xf32, #tpu.memory_space<hbm>>) target_semaphore(%arg15 : memref<!tpu.dma_semaphore, #tpu.memory_space<semaphore_mem>>)
      %mul3A_152 = arith.constant 2 : i32
      %mul3A_153 = arith.muli %mul3A_152, %scan3A_111 : i32
      %add3A_154 = arith.constant 0 : i32
      %add3A_155 = arith.addi %mul3A_153, %add3A_154 : i32
      %add3A_156 = arith.constant 2 : i32
      %add3A_157 = arith.addi %add3A_155, %add3A_156 : i32
      %min3A = arith.constant 38 : i32
      %min3A_158 = arith.minsi %add3A_157, %min3A : i32
      %mul3A_159 = arith.constant 32 : i32
      %mul3A_160 = arith.muli %min3A_158, %mul3A_159 : i32
      %add3A_161 = arith.addi %mul3A_160, %add3A : i32
      %mul3A_162 = arith.constant 128 : i32
      %mul3A_163 = arith.muli %add3A_161, %mul3A_162 : i32
      %dma_start3A_164 = tpu.memref_slice %arg3[%mul3A_163] : memref<160000xi32, #tpu.memory_space<hbm>> -> memref<128xi32, #tpu.memory_space<hbm>>
      %dma_start3A_165 = tpu.memref_slice %arg3[%mul3A_163] : memref<160000xi32, #tpu.memory_space<hbm>> -> memref<128xi32, #tpu.memory_space<hbm>>
      tpu.enqueue_dma source(%dma_start3A_165 : memref<128xi32, #tpu.memory_space<hbm>>) target(%arg7 : memref<128xi32, #tpu.memory_space<vmem>>) target_semaphore(%arg11 : memref<!tpu.dma_semaphore, #tpu.memory_space<semaphore_mem>>)
      %dma_wait3A_166 = arith.constant 0 : i32
      %dma_wait3A_167 = arith.constant 0 : i32
      %dma_wait3A_168 = tpu.memref_slice %arg2[%dma_wait3A_166, %dma_wait3A_167] : memref<10000x128xf32, #tpu.memory_space<hbm>> -> memref<10000x128xf32, #tpu.memory_space<hbm>>
      tpu.wait_indirect_dma semaphore(%arg14 : memref<!tpu.dma_semaphore, #tpu.memory_space<semaphore_mem>>) src(%dma_wait3A_168 : memref<10000x128xf32, #tpu.memory_space<hbm>>) dst(%arg10 : memref<128x128xf32, #tpu.memory_space<vmem>>)
      %mul3A_169 = arith.constant 2 : i32
      %mul3A_170 = arith.muli %mul3A_169, %scan3A_111 : i32
      %add3A_171 = arith.constant 1 : i32
      %add3A_172 = arith.addi %mul3A_170, %add3A_171 : i32
      %mul3A_173 = arith.constant 32 : i32
      %mul3A_174 = arith.muli %add3A_172, %mul3A_173 : i32
      %add3A_175 = arith.addi %mul3A_174, %add3A : i32
      %mul3A_176 = arith.constant 128 : i32
      %mul3A_177 = arith.muli %add3A_175, %mul3A_176 : i32
      %dma_start3A_178 = arith.constant 0 : i32
      %dma_start3A_179 = tpu.memref_slice %arg5[%mul3A_177, %dma_start3A_178] : memref<160000x128xf32, #tpu.memory_space<hbm>> -> memref<128x128xf32, #tpu.memory_space<hbm>>
      %dma_start3A_180 = arith.constant 0 : i32
      %dma_start3A_181 = tpu.memref_slice %arg5[%mul3A_177, %dma_start3A_180] : memref<160000x128xf32, #tpu.memory_space<hbm>> -> memref<128x128xf32, #tpu.memory_space<hbm>>
      tpu.enqueue_dma source(%arg10 : memref<128x128xf32, #tpu.memory_space<vmem>>) target(%dma_start3A_181 : memref<128x128xf32, #tpu.memory_space<hbm>>) target_semaphore(%arg16 : memref<!tpu.dma_semaphore, #tpu.memory_space<semaphore_mem>>)
      %mul3A_182 = arith.constant 2 : i32
      %mul3A_183 = arith.muli %mul3A_182, %scan3A_111 : i32
      %add3A_184 = arith.constant 1 : i32
      %add3A_185 = arith.addi %mul3A_183, %add3A_184 : i32
      %add3A_186 = arith.constant 2 : i32
      %add3A_187 = arith.addi %add3A_185, %add3A_186 : i32
      %min3A_188 = arith.constant 38 : i32
      %min3A_189 = arith.minsi %add3A_187, %min3A_188 : i32
      %mul3A_190 = arith.constant 32 : i32
      %mul3A_191 = arith.muli %min3A_189, %mul3A_190 : i32
      %add3A_192 = arith.addi %mul3A_191, %add3A : i32
      %mul3A_193 = arith.constant 128 : i32
      %mul3A_194 = arith.muli %add3A_192, %mul3A_193 : i32
      %dma_start3A_195 = tpu.memref_slice %arg3[%mul3A_194] : memref<160000xi32, #tpu.memory_space<hbm>> -> memref<128xi32, #tpu.memory_space<hbm>>
      %dma_start3A_196 = tpu.memref_slice %arg3[%mul3A_194] : memref<160000xi32, #tpu.memory_space<hbm>> -> memref<128xi32, #tpu.memory_space<hbm>>
      tpu.enqueue_dma source(%dma_start3A_196 : memref<128xi32, #tpu.memory_space<hbm>>) target(%arg8 : memref<128xi32, #tpu.memory_space<vmem>>) target_semaphore(%arg12 : memref<!tpu.dma_semaphore, #tpu.memory_space<semaphore_mem>>)
      %scan3A_197 = arith.constant 0 : i32
      scf.yield %scan3A_197 : i32
    }
    %scan3A_17 = arith.constant 19 : i32
    %add3A_18 = arith.constant 1152 : i32
    %add3A_19 = arith.addi %add3A_18, %add3A : i32
    %mul3A_20 = arith.constant 128 : i32
    %mul3A_21 = arith.muli %add3A_19, %mul3A_20 : i32
    %dma_wait3A = arith.constant 0 : i32
    %dma_wait3A_22 = tpu.memref_slice %arg5[%mul3A_21, %dma_wait3A] : memref<160000x128xf32, #tpu.memory_space<hbm>> -> memref<128x128xf32, #tpu.memory_space<hbm>>
    %dma_wait3A_23 = arith.constant 0 : i32
    %dma_wait3A_24 = tpu.memref_slice %arg5[%mul3A_21, %dma_wait3A_23] : memref<160000x128xf32, #tpu.memory_space<hbm>> -> memref<128x128xf32, #tpu.memory_space<hbm>>
    tpu.wait_dma2 semaphore(%arg15 : memref<!tpu.dma_semaphore, #tpu.memory_space<semaphore_mem>>) src(%arg9 : memref<128x128xf32, #tpu.memory_space<vmem>>) dst(%dma_wait3A_24 : memref<128x128xf32, #tpu.memory_space<hbm>>)
    %dma_wait3A_25 = arith.constant 0 : i32
    %dma_wait3A_26 = tpu.memref_slice %arg3[%dma_wait3A_25] : memref<160000xi32, #tpu.memory_space<hbm>> -> memref<128xi32, #tpu.memory_space<hbm>>
    %dma_wait3A_27 = arith.constant 0 : i32
    %dma_wait3A_28 = tpu.memref_slice %arg3[%dma_wait3A_27] : memref<160000xi32, #tpu.memory_space<hbm>> -> memref<128xi32, #tpu.memory_space<hbm>>
    tpu.wait_dma2 semaphore(%arg11 : memref<!tpu.dma_semaphore, #tpu.memory_space<semaphore_mem>>) src(%dma_wait3A_28 : memref<128xi32, #tpu.memory_space<hbm>>) dst(%arg7 : memref<128xi32, #tpu.memory_space<vmem>>)
    %add3A_29 = arith.constant 1184 : i32
    %add3A_30 = arith.addi %add3A_29, %add3A : i32
    %mul3A_31 = arith.constant 128 : i32
    %mul3A_32 = arith.muli %add3A_30, %mul3A_31 : i32
    %dma_wait3A_33 = arith.constant 0 : i32
    %dma_wait3A_34 = tpu.memref_slice %arg5[%mul3A_32, %dma_wait3A_33] : memref<160000x128xf32, #tpu.memory_space<hbm>> -> memref<128x128xf32, #tpu.memory_space<hbm>>
    %dma_wait3A_35 = arith.constant 0 : i32
    %dma_wait3A_36 = tpu.memref_slice %arg5[%mul3A_32, %dma_wait3A_35] : memref<160000x128xf32, #tpu.memory_space<hbm>> -> memref<128x128xf32, #tpu.memory_space<hbm>>
    tpu.wait_dma2 semaphore(%arg16 : memref<!tpu.dma_semaphore, #tpu.memory_space<semaphore_mem>>) src(%arg10 : memref<128x128xf32, #tpu.memory_space<vmem>>) dst(%dma_wait3A_36 : memref<128x128xf32, #tpu.memory_space<hbm>>)
    %dma_wait3A_37 = arith.constant 0 : i32
    %dma_wait3A_38 = tpu.memref_slice %arg3[%dma_wait3A_37] : memref<160000xi32, #tpu.memory_space<hbm>> -> memref<128xi32, #tpu.memory_space<hbm>>
    %dma_wait3A_39 = arith.constant 0 : i32
    %dma_wait3A_40 = tpu.memref_slice %arg3[%dma_wait3A_39] : memref<160000xi32, #tpu.memory_space<hbm>> -> memref<128xi32, #tpu.memory_space<hbm>>
    tpu.wait_dma2 semaphore(%arg12 : memref<!tpu.dma_semaphore, #tpu.memory_space<semaphore_mem>>) src(%dma_wait3A_40 : memref<128xi32, #tpu.memory_space<hbm>>) dst(%arg8 : memref<128xi32, #tpu.memory_space<vmem>>)
    %add3A_41 = arith.constant 1216 : i32
    %add3A_42 = arith.addi %add3A_41, %add3A : i32
    %mul3A_43 = arith.constant 128 : i32
    %mul3A_44 = arith.muli %add3A_42, %mul3A_43 : i32
    "tpu.region"() ({
      %run_scoped3A = tpu.sem_alloc : memref<!tpu.dma_semaphore, #tpu.memory_space<semaphore_mem>>
      %dma_start3A_111 = tpu.memref_slice %arg3[%mul3A_44] : memref<160000xi32, #tpu.memory_space<hbm>> -> memref<128xi32, #tpu.memory_space<hbm>>
      %dma_start3A_112 = tpu.memref_slice %arg3[%mul3A_44] : memref<160000xi32, #tpu.memory_space<hbm>> -> memref<128xi32, #tpu.memory_space<hbm>>
      tpu.enqueue_dma source(%dma_start3A_112 : memref<128xi32, #tpu.memory_space<hbm>>) target(%arg7 : memref<128xi32, #tpu.memory_space<vmem>>) target_semaphore(%run_scoped3A : memref<!tpu.dma_semaphore, #tpu.memory_space<semaphore_mem>>)
      %dma_wait3A_113 = tpu.memref_slice %arg3[%mul3A_44] : memref<160000xi32, #tpu.memory_space<hbm>> -> memref<128xi32, #tpu.memory_space<hbm>>
      %dma_wait3A_114 = tpu.memref_slice %arg3[%mul3A_44] : memref<160000xi32, #tpu.memory_space<hbm>> -> memref<128xi32, #tpu.memory_space<hbm>>
      tpu.wait_dma2 semaphore(%run_scoped3A : memref<!tpu.dma_semaphore, #tpu.memory_space<semaphore_mem>>) src(%dma_wait3A_114 : memref<128xi32, #tpu.memory_space<hbm>>) dst(%arg7 : memref<128xi32, #tpu.memory_space<vmem>>)
      tpu.yield
    }) : () -> ()
    %dma_start3A_45 = arith.constant 0 : i32
    %dma_start3A_46 = arith.constant 0 : i32
    %dma_start3A_47 = tpu.memref_slice %arg2[%dma_start3A_45, %dma_start3A_46] : memref<10000x128xf32, #tpu.memory_space<hbm>> -> memref<10000x128xf32, #tpu.memory_space<hbm>>
    tpu.enqueue_indirect_dma source(%dma_start3A_47 : memref<10000x128xf32, #tpu.memory_space<hbm>>) target(%arg9 : memref<128x128xf32, #tpu.memory_space<vmem>>) offsets(%arg7 : memref<128xi32, #tpu.memory_space<vmem>>) semaphore(%arg13 : memref<!tpu.dma_semaphore, #tpu.memory_space<semaphore_mem>>)
    %dma_wait3A_48 = arith.constant 0 : i32
    %dma_wait3A_49 = arith.constant 0 : i32
    %dma_wait3A_50 = tpu.memref_slice %arg2[%dma_wait3A_48, %dma_wait3A_49] : memref<10000x128xf32, #tpu.memory_space<hbm>> -> memref<10000x128xf32, #tpu.memory_space<hbm>>
    tpu.wait_indirect_dma semaphore(%arg13 : memref<!tpu.dma_semaphore, #tpu.memory_space<semaphore_mem>>) src(%dma_wait3A_50 : memref<10000x128xf32, #tpu.memory_space<hbm>>) dst(%arg9 : memref<128x128xf32, #tpu.memory_space<vmem>>)
    "tpu.region"() ({
      %run_scoped3A = tpu.sem_alloc : memref<!tpu.dma_semaphore, #tpu.memory_space<semaphore_mem>>
      %dma_start3A_111 = arith.constant 0 : i32
      %dma_start3A_112 = tpu.memref_slice %arg5[%mul3A_44, %dma_start3A_111] : memref<160000x128xf32, #tpu.memory_space<hbm>> -> memref<128x128xf32, #tpu.memory_space<hbm>>
      %dma_start3A_113 = arith.constant 0 : i32
      %dma_start3A_114 = tpu.memref_slice %arg5[%mul3A_44, %dma_start3A_113] : memref<160000x128xf32, #tpu.memory_space<hbm>> -> memref<128x128xf32, #tpu.memory_space<hbm>>
      tpu.enqueue_dma source(%arg9 : memref<128x128xf32, #tpu.memory_space<vmem>>) target(%dma_start3A_114 : memref<128x128xf32, #tpu.memory_space<hbm>>) target_semaphore(%run_scoped3A : memref<!tpu.dma_semaphore, #tpu.memory_space<semaphore_mem>>)
      %dma_wait3A_115 = arith.constant 0 : i32
      %dma_wait3A_116 = tpu.memref_slice %arg5[%mul3A_44, %dma_wait3A_115] : memref<160000x128xf32, #tpu.memory_space<hbm>> -> memref<128x128xf32, #tpu.memory_space<hbm>>
      %dma_wait3A_117 = arith.constant 0 : i32
      %dma_wait3A_118 = tpu.memref_slice %arg5[%mul3A_44, %dma_wait3A_117] : memref<160000x128xf32, #tpu.memory_space<hbm>> -> memref<128x128xf32, #tpu.memory_space<hbm>>
      tpu.wait_dma2 semaphore(%run_scoped3A : memref<!tpu.dma_semaphore, #tpu.memory_space<semaphore_mem>>) src(%arg9 : memref<128x128xf32, #tpu.memory_space<vmem>>) dst(%dma_wait3A_118 : memref<128x128xf32, #tpu.memory_space<hbm>>)
      tpu.yield
    }) : () -> ()
    %lt3A = arith.constant 2 : i32
    %lt3A_51 = arith.cmpi slt, %add3A, %lt3A : i32
    %convert_element_type3A = arith.extui %lt3A_51 : i1 to i32
    %cond3A = arith.constant 0 : i32
    %cond3A_52 = arith.cmpi ne, %convert_element_type3A, %cond3A : i32
    scf.if %cond3A_52 {
      %add3A_111 = arith.constant 1248 : i32
      %add3A_112 = arith.addi %add3A_111, %add3A : i32
      %mul3A_113 = arith.constant 128 : i32
      %mul3A_114 = arith.muli %add3A_112, %mul3A_113 : i32
      "tpu.region"() ({
        %run_scoped3A = tpu.sem_alloc : memref<!tpu.dma_semaphore, #tpu.memory_space<semaphore_mem>>
        %dma_start3A_121 = tpu.memref_slice %arg3[%mul3A_114] : memref<160000xi32, #tpu.memory_space<hbm>> -> memref<128xi32, #tpu.memory_space<hbm>>
        %dma_start3A_122 = tpu.memref_slice %arg3[%mul3A_114] : memref<160000xi32, #tpu.memory_space<hbm>> -> memref<128xi32, #tpu.memory_space<hbm>>
        tpu.enqueue_dma source(%dma_start3A_122 : memref<128xi32, #tpu.memory_space<hbm>>) target(%arg7 : memref<128xi32, #tpu.memory_space<vmem>>) target_semaphore(%run_scoped3A : memref<!tpu.dma_semaphore, #tpu.memory_space<semaphore_mem>>)
        %dma_wait3A_123 = tpu.memref_slice %arg3[%mul3A_114] : memref<160000xi32, #tpu.memory_space<hbm>> -> memref<128xi32, #tpu.memory_space<hbm>>
        %dma_wait3A_124 = tpu.memref_slice %arg3[%mul3A_114] : memref<160000xi32, #tpu.memory_space<hbm>> -> memref<128xi32, #tpu.memory_space<hbm>>
        tpu.wait_dma2 semaphore(%run_scoped3A : memref<!tpu.dma_semaphore, #tpu.memory_space<semaphore_mem>>) src(%dma_wait3A_124 : memref<128xi32, #tpu.memory_space<hbm>>) dst(%arg7 : memref<128xi32, #tpu.memory_space<vmem>>)
        tpu.yield
      }) : () -> ()
      %dma_start3A_115 = arith.constant 0 : i32
      %dma_start3A_116 = arith.constant 0 : i32
      %dma_start3A_117 = tpu.memref_slice %arg2[%dma_start3A_115, %dma_start3A_116] : memref<10000x128xf32, #tpu.memory_space<hbm>> -> memref<10000x128xf32, #tpu.memory_space<hbm>>
      tpu.enqueue_indirect_dma source(%dma_start3A_117 : memref<10000x128xf32, #tpu.memory_space<hbm>>) target(%arg9 : memref<128x128xf32, #tpu.memory_space<vmem>>) offsets(%arg7 : memref<128xi32, #tpu.memory_space<vmem>>) semaphore(%arg13 : memref<!tpu.dma_semaphore, #tpu.memory_space<semaphore_mem>>)
      %dma_wait3A_118 = arith.constant 0 : i32
      %dma_wait3A_119 = arith.constant 0 : i32
      %dma_wait3A_120 = tpu.memref_slice %arg2[%dma_wait3A_118, %dma_wait3A_119] : memref<10000x128xf32, #tpu.memory_space<hbm>> -> memref<10000x128xf32, #tpu.memory_space<hbm>>
      tpu.wait_indirect_dma semaphore(%arg13 : memref<!tpu.dma_semaphore, #tpu.memory_space<semaphore_mem>>) src(%dma_wait3A_120 : memref<10000x128xf32, #tpu.memory_space<hbm>>) dst(%arg9 : memref<128x128xf32, #tpu.memory_space<vmem>>)
      "tpu.region"() ({
        %run_scoped3A = tpu.sem_alloc : memref<!tpu.dma_semaphore, #tpu.memory_space<semaphore_mem>>
        %dma_start3A_121 = arith.constant 0 : i32
        %dma_start3A_122 = tpu.memref_slice %arg5[%mul3A_114, %dma_start3A_121] : memref<160000x128xf32, #tpu.memory_space<hbm>> -> memref<128x128xf32, #tpu.memory_space<hbm>>
        %dma_start3A_123 = arith.constant 0 : i32
        %dma_start3A_124 = tpu.memref_slice %arg5[%mul3A_114, %dma_start3A_123] : memref<160000x128xf32, #tpu.memory_space<hbm>> -> memref<128x128xf32, #tpu.memory_space<hbm>>
        tpu.enqueue_dma source(%arg9 : memref<128x128xf32, #tpu.memory_space<vmem>>) target(%dma_start3A_124 : memref<128x128xf32, #tpu.memory_space<hbm>>) target_semaphore(%run_scoped3A : memref<!tpu.dma_semaphore, #tpu.memory_space<semaphore_mem>>)
        %dma_wait3A_125 = arith.constant 0 : i32
        %dma_wait3A_126 = tpu.memref_slice %arg5[%mul3A_114, %dma_wait3A_125] : memref<160000x128xf32, #tpu.memory_space<hbm>> -> memref<128x128xf32, #tpu.memory_space<hbm>>
        %dma_wait3A_127 = arith.constant 0 : i32
        %dma_wait3A_128 = tpu.memref_slice %arg5[%mul3A_114, %dma_wait3A_127] : memref<160000x128xf32, #tpu.memory_space<hbm>> -> memref<128x128xf32, #tpu.memory_space<hbm>>
        tpu.wait_dma2 semaphore(%run_scoped3A : memref<!tpu.dma_semaphore, #tpu.memory_space<semaphore_mem>>) src(%arg9 : memref<128x128xf32, #tpu.memory_space<vmem>>) dst(%dma_wait3A_128 : memref<128x128xf32, #tpu.memory_space<hbm>>)
        tpu.yield
      }) : () -> ()
    } else {
    }
    %add3A_53 = arith.constant 0 : i32
    %add3A_54 = arith.addi %add3A_53, %add3A : i32
    %mul3A_55 = arith.constant 128 : i32
    %mul3A_56 = arith.muli %add3A_54, %mul3A_55 : i32
    %dma_start3A_57 = tpu.memref_slice %arg4[%mul3A_56] : memref<160000xi32, #tpu.memory_space<hbm>> -> memref<128xi32, #tpu.memory_space<hbm>>
    %dma_start3A_58 = tpu.memref_slice %arg4[%mul3A_56] : memref<160000xi32, #tpu.memory_space<hbm>> -> memref<128xi32, #tpu.memory_space<hbm>>
    tpu.enqueue_dma source(%dma_start3A_58 : memref<128xi32, #tpu.memory_space<hbm>>) target(%arg7 : memref<128xi32, #tpu.memory_space<vmem>>) target_semaphore(%arg11 : memref<!tpu.dma_semaphore, #tpu.memory_space<semaphore_mem>>)
    %add3A_59 = arith.constant 32 : i32
    %add3A_60 = arith.addi %add3A_59, %add3A : i32
    %mul3A_61 = arith.constant 128 : i32
    %mul3A_62 = arith.muli %add3A_60, %mul3A_61 : i32
    %dma_start3A_63 = tpu.memref_slice %arg4[%mul3A_62] : memref<160000xi32, #tpu.memory_space<hbm>> -> memref<128xi32, #tpu.memory_space<hbm>>
    %dma_start3A_64 = tpu.memref_slice %arg4[%mul3A_62] : memref<160000xi32, #tpu.memory_space<hbm>> -> memref<128xi32, #tpu.memory_space<hbm>>
    tpu.enqueue_dma source(%dma_start3A_64 : memref<128xi32, #tpu.memory_space<hbm>>) target(%arg8 : memref<128xi32, #tpu.memory_space<vmem>>) target_semaphore(%arg12 : memref<!tpu.dma_semaphore, #tpu.memory_space<semaphore_mem>>)
    %scan3A_65 = arith.constant 0 : i32
    %scan3A_66 = arith.constant 0 : i32
    %scan3A_67 = arith.constant 19 : i32
    %scan3A_68 = arith.addi %scan3A_66, %scan3A_67 : i32
    %scan3A_69 = arith.constant 1 : i32
    %scan3A_70 = scf.for %scan3A_111 = %scan3A_66 to %scan3A_68 step %scan3A_69 iter_args(%scan3A_112 = %scan3A_65) -> (i32)  : i32 {
      %dma_wait3A_113 = arith.constant 0 : i32
      %dma_wait3A_114 = tpu.memref_slice %arg4[%dma_wait3A_113] : memref<160000xi32, #tpu.memory_space<hbm>> -> memref<128xi32, #tpu.memory_space<hbm>>
      %dma_wait3A_115 = arith.constant 0 : i32
      %dma_wait3A_116 = tpu.memref_slice %arg4[%dma_wait3A_115] : memref<160000xi32, #tpu.memory_space<hbm>> -> memref<128xi32, #tpu.memory_space<hbm>>
      tpu.wait_dma2 semaphore(%arg11 : memref<!tpu.dma_semaphore, #tpu.memory_space<semaphore_mem>>) src(%dma_wait3A_116 : memref<128xi32, #tpu.memory_space<hbm>>) dst(%arg7 : memref<128xi32, #tpu.memory_space<vmem>>)
      %gt3A = arith.constant 0 : i32
      %gt3A_117 = arith.cmpi sgt, %scan3A_111, %gt3A : i32
      %convert_element_type3A_118 = arith.extui %gt3A_117 : i1 to i32
      %cond3A_119 = arith.constant 0 : i32
      %cond3A_120 = arith.cmpi ne, %convert_element_type3A_118, %cond3A_119 : i32
      scf.if %cond3A_120 {
        %mul3A_198 = arith.constant 2 : i32
        %mul3A_199 = arith.muli %mul3A_198, %scan3A_111 : i32
        %add3A_200 = arith.constant 0 : i32
        %add3A_201 = arith.addi %mul3A_199, %add3A_200 : i32
        %sub3A = arith.constant 2 : i32
        %sub3A_202 = arith.subi %add3A_201, %sub3A : i32
        %mul3A_203 = arith.constant 32 : i32
        %mul3A_204 = arith.muli %sub3A_202, %mul3A_203 : i32
        %add3A_205 = arith.addi %mul3A_204, %add3A : i32
        %mul3A_206 = arith.constant 128 : i32
        %mul3A_207 = arith.muli %add3A_205, %mul3A_206 : i32
        %dma_wait3A_208 = arith.constant 0 : i32
        %dma_wait3A_209 = tpu.memref_slice %arg6[%mul3A_207, %dma_wait3A_208] : memref<160000x128xf32, #tpu.memory_space<hbm>> -> memref<128x128xf32, #tpu.memory_space<hbm>>
        %dma_wait3A_210 = arith.constant 0 : i32
        %dma_wait3A_211 = tpu.memref_slice %arg6[%mul3A_207, %dma_wait3A_210] : memref<160000x128xf32, #tpu.memory_space<hbm>> -> memref<128x128xf32, #tpu.memory_space<hbm>>
        tpu.wait_dma2 semaphore(%arg15 : memref<!tpu.dma_semaphore, #tpu.memory_space<semaphore_mem>>) src(%arg9 : memref<128x128xf32, #tpu.memory_space<vmem>>) dst(%dma_wait3A_211 : memref<128x128xf32, #tpu.memory_space<hbm>>)
      } else {
      }
      %dma_start3A_121 = arith.constant 0 : i32
      %dma_start3A_122 = arith.constant 0 : i32
      %dma_start3A_123 = tpu.memref_slice %arg2[%dma_start3A_121, %dma_start3A_122] : memref<10000x128xf32, #tpu.memory_space<hbm>> -> memref<10000x128xf32, #tpu.memory_space<hbm>>
      tpu.enqueue_indirect_dma source(%dma_start3A_123 : memref<10000x128xf32, #tpu.memory_space<hbm>>) target(%arg9 : memref<128x128xf32, #tpu.memory_space<vmem>>) offsets(%arg7 : memref<128xi32, #tpu.memory_space<vmem>>) semaphore(%arg13 : memref<!tpu.dma_semaphore, #tpu.memory_space<semaphore_mem>>)
      %dma_wait3A_124 = arith.constant 0 : i32
      %dma_wait3A_125 = tpu.memref_slice %arg4[%dma_wait3A_124] : memref<160000xi32, #tpu.memory_space<hbm>> -> memref<128xi32, #tpu.memory_space<hbm>>
      %dma_wait3A_126 = arith.constant 0 : i32
      %dma_wait3A_127 = tpu.memref_slice %arg4[%dma_wait3A_126] : memref<160000xi32, #tpu.memory_space<hbm>> -> memref<128xi32, #tpu.memory_space<hbm>>
      tpu.wait_dma2 semaphore(%arg12 : memref<!tpu.dma_semaphore, #tpu.memory_space<semaphore_mem>>) src(%dma_wait3A_127 : memref<128xi32, #tpu.memory_space<hbm>>) dst(%arg8 : memref<128xi32, #tpu.memory_space<vmem>>)
      %gt3A_128 = arith.constant 0 : i32
      %gt3A_129 = arith.cmpi sgt, %scan3A_111, %gt3A_128 : i32
      %convert_element_type3A_130 = arith.extui %gt3A_129 : i1 to i32
      %cond3A_131 = arith.constant 0 : i32
      %cond3A_132 = arith.cmpi ne, %convert_element_type3A_130, %cond3A_131 : i32
      scf.if %cond3A_132 {
        %mul3A_198 = arith.constant 2 : i32
        %mul3A_199 = arith.muli %mul3A_198, %scan3A_111 : i32
        %add3A_200 = arith.constant 1 : i32
        %add3A_201 = arith.addi %mul3A_199, %add3A_200 : i32
        %sub3A = arith.constant 2 : i32
        %sub3A_202 = arith.subi %add3A_201, %sub3A : i32
        %mul3A_203 = arith.constant 32 : i32
        %mul3A_204 = arith.muli %sub3A_202, %mul3A_203 : i32
        %add3A_205 = arith.addi %mul3A_204, %add3A : i32
        %mul3A_206 = arith.constant 128 : i32
        %mul3A_207 = arith.muli %add3A_205, %mul3A_206 : i32
        %dma_wait3A_208 = arith.constant 0 : i32
        %dma_wait3A_209 = tpu.memref_slice %arg6[%mul3A_207, %dma_wait3A_208] : memref<160000x128xf32, #tpu.memory_space<hbm>> -> memref<128x128xf32, #tpu.memory_space<hbm>>
        %dma_wait3A_210 = arith.constant 0 : i32
        %dma_wait3A_211 = tpu.memref_slice %arg6[%mul3A_207, %dma_wait3A_210] : memref<160000x128xf32, #tpu.memory_space<hbm>> -> memref<128x128xf32, #tpu.memory_space<hbm>>
        tpu.wait_dma2 semaphore(%arg16 : memref<!tpu.dma_semaphore, #tpu.memory_space<semaphore_mem>>) src(%arg10 : memref<128x128xf32, #tpu.memory_space<vmem>>) dst(%dma_wait3A_211 : memref<128x128xf32, #tpu.memory_space<hbm>>)
      } else {
      }
      %dma_start3A_133 = arith.constant 0 : i32
      %dma_start3A_134 = arith.constant 0 : i32
      %dma_start3A_135 = tpu.memref_slice %arg2[%dma_start3A_133, %dma_start3A_134] : memref<10000x128xf32, #tpu.memory_space<hbm>> -> memref<10000x128xf32, #tpu.memory_space<hbm>>
      tpu.enqueue_indirect_dma source(%dma_start3A_135 : memref<10000x128xf32, #tpu.memory_space<hbm>>) target(%arg10 : memref<128x128xf32, #tpu.memory_space<vmem>>) offsets(%arg8 : memref<128xi32, #tpu.memory_space<vmem>>) semaphore(%arg14 : memref<!tpu.dma_semaphore, #tpu.memory_space<semaphore_mem>>)
      %dma_wait3A_136 = arith.constant 0 : i32
      %dma_wait3A_137 = arith.constant 0 : i32
      %dma_wait3A_138 = tpu.memref_slice %arg2[%dma_wait3A_136, %dma_wait3A_137] : memref<10000x128xf32, #tpu.memory_space<hbm>> -> memref<10000x128xf32, #tpu.memory_space<hbm>>
      tpu.wait_indirect_dma semaphore(%arg13 : memref<!tpu.dma_semaphore, #tpu.memory_space<semaphore_mem>>) src(%dma_wait3A_138 : memref<10000x128xf32, #tpu.memory_space<hbm>>) dst(%arg9 : memref<128x128xf32, #tpu.memory_space<vmem>>)
      %mul3A_139 = arith.constant 2 : i32
      %mul3A_140 = arith.muli %mul3A_139, %scan3A_111 : i32
      %add3A_141 = arith.constant 0 : i32
      %add3A_142 = arith.addi %mul3A_140, %add3A_141 : i32
      %mul3A_143 = arith.constant 32 : i32
      %mul3A_144 = arith.muli %add3A_142, %mul3A_143 : i32
      %add3A_145 = arith.addi %mul3A_144, %add3A : i32
      %mul3A_146 = arith.constant 128 : i32
      %mul3A_147 = arith.muli %add3A_145, %mul3A_146 : i32
      %dma_start3A_148 = arith.constant 0 : i32
      %dma_start3A_149 = tpu.memref_slice %arg6[%mul3A_147, %dma_start3A_148] : memref<160000x128xf32, #tpu.memory_space<hbm>> -> memref<128x128xf32, #tpu.memory_space<hbm>>
      %dma_start3A_150 = arith.constant 0 : i32
      %dma_start3A_151 = tpu.memref_slice %arg6[%mul3A_147, %dma_start3A_150] : memref<160000x128xf32, #tpu.memory_space<hbm>> -> memref<128x128xf32, #tpu.memory_space<hbm>>
      tpu.enqueue_dma source(%arg9 : memref<128x128xf32, #tpu.memory_space<vmem>>) target(%dma_start3A_151 : memref<128x128xf32, #tpu.memory_space<hbm>>) target_semaphore(%arg15 : memref<!tpu.dma_semaphore, #tpu.memory_space<semaphore_mem>>)
      %mul3A_152 = arith.constant 2 : i32
      %mul3A_153 = arith.muli %mul3A_152, %scan3A_111 : i32
      %add3A_154 = arith.constant 0 : i32
      %add3A_155 = arith.addi %mul3A_153, %add3A_154 : i32
      %add3A_156 = arith.constant 2 : i32
      %add3A_157 = arith.addi %add3A_155, %add3A_156 : i32
      %min3A = arith.constant 38 : i32
      %min3A_158 = arith.minsi %add3A_157, %min3A : i32
      %mul3A_159 = arith.constant 32 : i32
      %mul3A_160 = arith.muli %min3A_158, %mul3A_159 : i32
      %add3A_161 = arith.addi %mul3A_160, %add3A : i32
      %mul3A_162 = arith.constant 128 : i32
      %mul3A_163 = arith.muli %add3A_161, %mul3A_162 : i32
      %dma_start3A_164 = tpu.memref_slice %arg4[%mul3A_163] : memref<160000xi32, #tpu.memory_space<hbm>> -> memref<128xi32, #tpu.memory_space<hbm>>
      %dma_start3A_165 = tpu.memref_slice %arg4[%mul3A_163] : memref<160000xi32, #tpu.memory_space<hbm>> -> memref<128xi32, #tpu.memory_space<hbm>>
      tpu.enqueue_dma source(%dma_start3A_165 : memref<128xi32, #tpu.memory_space<hbm>>) target(%arg7 : memref<128xi32, #tpu.memory_space<vmem>>) target_semaphore(%arg11 : memref<!tpu.dma_semaphore, #tpu.memory_space<semaphore_mem>>)
      %dma_wait3A_166 = arith.constant 0 : i32
      %dma_wait3A_167 = arith.constant 0 : i32
      %dma_wait3A_168 = tpu.memref_slice %arg2[%dma_wait3A_166, %dma_wait3A_167] : memref<10000x128xf32, #tpu.memory_space<hbm>> -> memref<10000x128xf32, #tpu.memory_space<hbm>>
      tpu.wait_indirect_dma semaphore(%arg14 : memref<!tpu.dma_semaphore, #tpu.memory_space<semaphore_mem>>) src(%dma_wait3A_168 : memref<10000x128xf32, #tpu.memory_space<hbm>>) dst(%arg10 : memref<128x128xf32, #tpu.memory_space<vmem>>)
      %mul3A_169 = arith.constant 2 : i32
      %mul3A_170 = arith.muli %mul3A_169, %scan3A_111 : i32
      %add3A_171 = arith.constant 1 : i32
      %add3A_172 = arith.addi %mul3A_170, %add3A_171 : i32
      %mul3A_173 = arith.constant 32 : i32
      %mul3A_174 = arith.muli %add3A_172, %mul3A_173 : i32
      %add3A_175 = arith.addi %mul3A_174, %add3A : i32
      %mul3A_176 = arith.constant 128 : i32
      %mul3A_177 = arith.muli %add3A_175, %mul3A_176 : i32
      %dma_start3A_178 = arith.constant 0 : i32
      %dma_start3A_179 = tpu.memref_slice %arg6[%mul3A_177, %dma_start3A_178] : memref<160000x128xf32, #tpu.memory_space<hbm>> -> memref<128x128xf32, #tpu.memory_space<hbm>>
      %dma_start3A_180 = arith.constant 0 : i32
      %dma_start3A_181 = tpu.memref_slice %arg6[%mul3A_177, %dma_start3A_180] : memref<160000x128xf32, #tpu.memory_space<hbm>> -> memref<128x128xf32, #tpu.memory_space<hbm>>
      tpu.enqueue_dma source(%arg10 : memref<128x128xf32, #tpu.memory_space<vmem>>) target(%dma_start3A_181 : memref<128x128xf32, #tpu.memory_space<hbm>>) target_semaphore(%arg16 : memref<!tpu.dma_semaphore, #tpu.memory_space<semaphore_mem>>)
      %mul3A_182 = arith.constant 2 : i32
      %mul3A_183 = arith.muli %mul3A_182, %scan3A_111 : i32
      %add3A_184 = arith.constant 1 : i32
      %add3A_185 = arith.addi %mul3A_183, %add3A_184 : i32
      %add3A_186 = arith.constant 2 : i32
      %add3A_187 = arith.addi %add3A_185, %add3A_186 : i32
      %min3A_188 = arith.constant 38 : i32
      %min3A_189 = arith.minsi %add3A_187, %min3A_188 : i32
      %mul3A_190 = arith.constant 32 : i32
      %mul3A_191 = arith.muli %min3A_189, %mul3A_190 : i32
      %add3A_192 = arith.addi %mul3A_191, %add3A : i32
      %mul3A_193 = arith.constant 128 : i32
      %mul3A_194 = arith.muli %add3A_192, %mul3A_193 : i32
      %dma_start3A_195 = tpu.memref_slice %arg4[%mul3A_194] : memref<160000xi32, #tpu.memory_space<hbm>> -> memref<128xi32, #tpu.memory_space<hbm>>
      %dma_start3A_196 = tpu.memref_slice %arg4[%mul3A_194] : memref<160000xi32, #tpu.memory_space<hbm>> -> memref<128xi32, #tpu.memory_space<hbm>>
      tpu.enqueue_dma source(%dma_start3A_196 : memref<128xi32, #tpu.memory_space<hbm>>) target(%arg8 : memref<128xi32, #tpu.memory_space<vmem>>) target_semaphore(%arg12 : memref<!tpu.dma_semaphore, #tpu.memory_space<semaphore_mem>>)
      %scan3A_197 = arith.constant 0 : i32
      scf.yield %scan3A_197 : i32
    }
    %scan3A_71 = arith.constant 19 : i32
    %add3A_72 = arith.constant 1152 : i32
    %add3A_73 = arith.addi %add3A_72, %add3A : i32
    %mul3A_74 = arith.constant 128 : i32
    %mul3A_75 = arith.muli %add3A_73, %mul3A_74 : i32
    %dma_wait3A_76 = arith.constant 0 : i32
    %dma_wait3A_77 = tpu.memref_slice %arg6[%mul3A_75, %dma_wait3A_76] : memref<160000x128xf32, #tpu.memory_space<hbm>> -> memref<128x128xf32, #tpu.memory_space<hbm>>
    %dma_wait3A_78 = arith.constant 0 : i32
    %dma_wait3A_79 = tpu.memref_slice %arg6[%mul3A_75, %dma_wait3A_78] : memref<160000x128xf32, #tpu.memory_space<hbm>> -> memref<128x128xf32, #tpu.memory_space<hbm>>
    tpu.wait_dma2 semaphore(%arg15 : memref<!tpu.dma_semaphore, #tpu.memory_space<semaphore_mem>>) src(%arg9 : memref<128x128xf32, #tpu.memory_space<vmem>>) dst(%dma_wait3A_79 : memref<128x128xf32, #tpu.memory_space<hbm>>)
    %dma_wait3A_80 = arith.constant 0 : i32
    %dma_wait3A_81 = tpu.memref_slice %arg4[%dma_wait3A_80] : memref<160000xi32, #tpu.memory_space<hbm>> -> memref<128xi32, #tpu.memory_space<hbm>>
    %dma_wait3A_82 = arith.constant 0 : i32
    %dma_wait3A_83 = tpu.memref_slice %arg4[%dma_wait3A_82] : memref<160000xi32, #tpu.memory_space<hbm>> -> memref<128xi32, #tpu.memory_space<hbm>>
    tpu.wait_dma2 semaphore(%arg11 : memref<!tpu.dma_semaphore, #tpu.memory_space<semaphore_mem>>) src(%dma_wait3A_83 : memref<128xi32, #tpu.memory_space<hbm>>) dst(%arg7 : memref<128xi32, #tpu.memory_space<vmem>>)
    %add3A_84 = arith.constant 1184 : i32
    %add3A_85 = arith.addi %add3A_84, %add3A : i32
    %mul3A_86 = arith.constant 128 : i32
    %mul3A_87 = arith.muli %add3A_85, %mul3A_86 : i32
    %dma_wait3A_88 = arith.constant 0 : i32
    %dma_wait3A_89 = tpu.memref_slice %arg6[%mul3A_87, %dma_wait3A_88] : memref<160000x128xf32, #tpu.memory_space<hbm>> -> memref<128x128xf32, #tpu.memory_space<hbm>>
    %dma_wait3A_90 = arith.constant 0 : i32
    %dma_wait3A_91 = tpu.memref_slice %arg6[%mul3A_87, %dma_wait3A_90] : memref<160000x128xf32, #tpu.memory_space<hbm>> -> memref<128x128xf32, #tpu.memory_space<hbm>>
    tpu.wait_dma2 semaphore(%arg16 : memref<!tpu.dma_semaphore, #tpu.memory_space<semaphore_mem>>) src(%arg10 : memref<128x128xf32, #tpu.memory_space<vmem>>) dst(%dma_wait3A_91 : memref<128x128xf32, #tpu.memory_space<hbm>>)
    %dma_wait3A_92 = arith.constant 0 : i32
    %dma_wait3A_93 = tpu.memref_slice %arg4[%dma_wait3A_92] : memref<160000xi32, #tpu.memory_space<hbm>> -> memref<128xi32, #tpu.memory_space<hbm>>
    %dma_wait3A_94 = arith.constant 0 : i32
    %dma_wait3A_95 = tpu.memref_slice %arg4[%dma_wait3A_94] : memref<160000xi32, #tpu.memory_space<hbm>> -> memref<128xi32, #tpu.memory_space<hbm>>
    tpu.wait_dma2 semaphore(%arg12 : memref<!tpu.dma_semaphore, #tpu.memory_space<semaphore_mem>>) src(%dma_wait3A_95 : memref<128xi32, #tpu.memory_space<hbm>>) dst(%arg8 : memref<128xi32, #tpu.memory_space<vmem>>)
    %add3A_96 = arith.constant 1216 : i32
    %add3A_97 = arith.addi %add3A_96, %add3A : i32
    %mul3A_98 = arith.constant 128 : i32
    %mul3A_99 = arith.muli %add3A_97, %mul3A_98 : i32
    "tpu.region"() ({
      %run_scoped3A = tpu.sem_alloc : memref<!tpu.dma_semaphore, #tpu.memory_space<semaphore_mem>>
      %dma_start3A_111 = tpu.memref_slice %arg4[%mul3A_99] : memref<160000xi32, #tpu.memory_space<hbm>> -> memref<128xi32, #tpu.memory_space<hbm>>
      %dma_start3A_112 = tpu.memref_slice %arg4[%mul3A_99] : memref<160000xi32, #tpu.memory_space<hbm>> -> memref<128xi32, #tpu.memory_space<hbm>>
      tpu.enqueue_dma source(%dma_start3A_112 : memref<128xi32, #tpu.memory_space<hbm>>) target(%arg7 : memref<128xi32, #tpu.memory_space<vmem>>) target_semaphore(%run_scoped3A : memref<!tpu.dma_semaphore, #tpu.memory_space<semaphore_mem>>)
      %dma_wait3A_113 = tpu.memref_slice %arg4[%mul3A_99] : memref<160000xi32, #tpu.memory_space<hbm>> -> memref<128xi32, #tpu.memory_space<hbm>>
      %dma_wait3A_114 = tpu.memref_slice %arg4[%mul3A_99] : memref<160000xi32, #tpu.memory_space<hbm>> -> memref<128xi32, #tpu.memory_space<hbm>>
      tpu.wait_dma2 semaphore(%run_scoped3A : memref<!tpu.dma_semaphore, #tpu.memory_space<semaphore_mem>>) src(%dma_wait3A_114 : memref<128xi32, #tpu.memory_space<hbm>>) dst(%arg7 : memref<128xi32, #tpu.memory_space<vmem>>)
      tpu.yield
    }) : () -> ()
    %dma_start3A_100 = arith.constant 0 : i32
    %dma_start3A_101 = arith.constant 0 : i32
    %dma_start3A_102 = tpu.memref_slice %arg2[%dma_start3A_100, %dma_start3A_101] : memref<10000x128xf32, #tpu.memory_space<hbm>> -> memref<10000x128xf32, #tpu.memory_space<hbm>>
    tpu.enqueue_indirect_dma source(%dma_start3A_102 : memref<10000x128xf32, #tpu.memory_space<hbm>>) target(%arg9 : memref<128x128xf32, #tpu.memory_space<vmem>>) offsets(%arg7 : memref<128xi32, #tpu.memory_space<vmem>>) semaphore(%arg13 : memref<!tpu.dma_semaphore, #tpu.memory_space<semaphore_mem>>)
    %dma_wait3A_103 = arith.constant 0 : i32
    %dma_wait3A_104 = arith.constant 0 : i32
    %dma_wait3A_105 = tpu.memref_slice %arg2[%dma_wait3A_103, %dma_wait3A_104] : memref<10000x128xf32, #tpu.memory_space<hbm>> -> memref<10000x128xf32, #tpu.memory_space<hbm>>
    tpu.wait_indirect_dma semaphore(%arg13 : memref<!tpu.dma_semaphore, #tpu.memory_space<semaphore_mem>>) src(%dma_wait3A_105 : memref<10000x128xf32, #tpu.memory_space<hbm>>) dst(%arg9 : memref<128x128xf32, #tpu.memory_space<vmem>>)
    "tpu.region"() ({
      %run_scoped3A = tpu.sem_alloc : memref<!tpu.dma_semaphore, #tpu.memory_space<semaphore_mem>>
      %dma_start3A_111 = arith.constant 0 : i32
      %dma_start3A_112 = tpu.memref_slice %arg6[%mul3A_99, %dma_start3A_111] : memref<160000x128xf32, #tpu.memory_space<hbm>> -> memref<128x128xf32, #tpu.memory_space<hbm>>
      %dma_start3A_113 = arith.constant 0 : i32
      %dma_start3A_114 = tpu.memref_slice %arg6[%mul3A_99, %dma_start3A_113] : memref<160000x128xf32, #tpu.memory_space<hbm>> -> memref<128x128xf32, #tpu.memory_space<hbm>>
      tpu.enqueue_dma source(%arg9 : memref<128x128xf32, #tpu.memory_space<vmem>>) target(%dma_start3A_114 : memref<128x128xf32, #tpu.memory_space<hbm>>) target_semaphore(%run_scoped3A : memref<!tpu.dma_semaphore, #tpu.memory_space<semaphore_mem>>)
      %dma_wait3A_115 = arith.constant 0 : i32
      %dma_wait3A_116 = tpu.memref_slice %arg6[%mul3A_99, %dma_wait3A_115] : memref<160000x128xf32, #tpu.memory_space<hbm>> -> memref<128x128xf32, #tpu.memory_space<hbm>>
      %dma_wait3A_117 = arith.constant 0 : i32
      %dma_wait3A_118 = tpu.memref_slice %arg6[%mul3A_99, %dma_wait3A_117] : memref<160000x128xf32, #tpu.memory_space<hbm>> -> memref<128x128xf32, #tpu.memory_space<hbm>>
      tpu.wait_dma2 semaphore(%run_scoped3A : memref<!tpu.dma_semaphore, #tpu.memory_space<semaphore_mem>>) src(%arg9 : memref<128x128xf32, #tpu.memory_space<vmem>>) dst(%dma_wait3A_118 : memref<128x128xf32, #tpu.memory_space<hbm>>)
      tpu.yield
    }) : () -> ()
    %lt3A_106 = arith.constant 2 : i32
    %lt3A_107 = arith.cmpi slt, %add3A, %lt3A_106 : i32
    %convert_element_type3A_108 = arith.extui %lt3A_107 : i1 to i32
    %cond3A_109 = arith.constant 0 : i32
    %cond3A_110 = arith.cmpi ne, %convert_element_type3A_108, %cond3A_109 : i32
    scf.if %cond3A_110 {
      %add3A_111 = arith.constant 1248 : i32
      %add3A_112 = arith.addi %add3A_111, %add3A : i32
      %mul3A_113 = arith.constant 128 : i32
      %mul3A_114 = arith.muli %add3A_112, %mul3A_113 : i32
      "tpu.region"() ({
        %run_scoped3A = tpu.sem_alloc : memref<!tpu.dma_semaphore, #tpu.memory_space<semaphore_mem>>
        %dma_start3A_121 = tpu.memref_slice %arg4[%mul3A_114] : memref<160000xi32, #tpu.memory_space<hbm>> -> memref<128xi32, #tpu.memory_space<hbm>>
        %dma_start3A_122 = tpu.memref_slice %arg4[%mul3A_114] : memref<160000xi32, #tpu.memory_space<hbm>> -> memref<128xi32, #tpu.memory_space<hbm>>
        tpu.enqueue_dma source(%dma_start3A_122 : memref<128xi32, #tpu.memory_space<hbm>>) target(%arg7 : memref<128xi32, #tpu.memory_space<vmem>>) target_semaphore(%run_scoped3A : memref<!tpu.dma_semaphore, #tpu.memory_space<semaphore_mem>>)
        %dma_wait3A_123 = tpu.memref_slice %arg4[%mul3A_114] : memref<160000xi32, #tpu.memory_space<hbm>> -> memref<128xi32, #tpu.memory_space<hbm>>
        %dma_wait3A_124 = tpu.memref_slice %arg4[%mul3A_114] : memref<160000xi32, #tpu.memory_space<hbm>> -> memref<128xi32, #tpu.memory_space<hbm>>
        tpu.wait_dma2 semaphore(%run_scoped3A : memref<!tpu.dma_semaphore, #tpu.memory_space<semaphore_mem>>) src(%dma_wait3A_124 : memref<128xi32, #tpu.memory_space<hbm>>) dst(%arg7 : memref<128xi32, #tpu.memory_space<vmem>>)
        tpu.yield
      }) : () -> ()
      %dma_start3A_115 = arith.constant 0 : i32
      %dma_start3A_116 = arith.constant 0 : i32
      %dma_start3A_117 = tpu.memref_slice %arg2[%dma_start3A_115, %dma_start3A_116] : memref<10000x128xf32, #tpu.memory_space<hbm>> -> memref<10000x128xf32, #tpu.memory_space<hbm>>
      tpu.enqueue_indirect_dma source(%dma_start3A_117 : memref<10000x128xf32, #tpu.memory_space<hbm>>) target(%arg9 : memref<128x128xf32, #tpu.memory_space<vmem>>) offsets(%arg7 : memref<128xi32, #tpu.memory_space<vmem>>) semaphore(%arg13 : memref<!tpu.dma_semaphore, #tpu.memory_space<semaphore_mem>>)
      %dma_wait3A_118 = arith.constant 0 : i32
      %dma_wait3A_119 = arith.constant 0 : i32
      %dma_wait3A_120 = tpu.memref_slice %arg2[%dma_wait3A_118, %dma_wait3A_119] : memref<10000x128xf32, #tpu.memory_space<hbm>> -> memref<10000x128xf32, #tpu.memory_space<hbm>>
      tpu.wait_indirect_dma semaphore(%arg13 : memref<!tpu.dma_semaphore, #tpu.memory_space<semaphore_mem>>) src(%dma_wait3A_120 : memref<10000x128xf32, #tpu.memory_space<hbm>>) dst(%arg9 : memref<128x128xf32, #tpu.memory_space<vmem>>)
      "tpu.region"() ({
        %run_scoped3A = tpu.sem_alloc : memref<!tpu.dma_semaphore, #tpu.memory_space<semaphore_mem>>
        %dma_start3A_121 = arith.constant 0 : i32
        %dma_start3A_122 = tpu.memref_slice %arg6[%mul3A_114, %dma_start3A_121] : memref<160000x128xf32, #tpu.memory_space<hbm>> -> memref<128x128xf32, #tpu.memory_space<hbm>>
        %dma_start3A_123 = arith.constant 0 : i32
        %dma_start3A_124 = tpu.memref_slice %arg6[%mul3A_114, %dma_start3A_123] : memref<160000x128xf32, #tpu.memory_space<hbm>> -> memref<128x128xf32, #tpu.memory_space<hbm>>
        tpu.enqueue_dma source(%arg9 : memref<128x128xf32, #tpu.memory_space<vmem>>) target(%dma_start3A_124 : memref<128x128xf32, #tpu.memory_space<hbm>>) target_semaphore(%run_scoped3A : memref<!tpu.dma_semaphore, #tpu.memory_space<semaphore_mem>>)
        %dma_wait3A_125 = arith.constant 0 : i32
        %dma_wait3A_126 = tpu.memref_slice %arg6[%mul3A_114, %dma_wait3A_125] : memref<160000x128xf32, #tpu.memory_space<hbm>> -> memref<128x128xf32, #tpu.memory_space<hbm>>
        %dma_wait3A_127 = arith.constant 0 : i32
        %dma_wait3A_128 = tpu.memref_slice %arg6[%mul3A_114, %dma_wait3A_127] : memref<160000x128xf32, #tpu.memory_space<hbm>> -> memref<128x128xf32, #tpu.memory_space<hbm>>
        tpu.wait_dma2 semaphore(%run_scoped3A : memref<!tpu.dma_semaphore, #tpu.memory_space<semaphore_mem>>) src(%arg9 : memref<128x128xf32, #tpu.memory_space<vmem>>) dst(%dma_wait3A_128 : memref<128x128xf32, #tpu.memory_space<hbm>>)
        tpu.yield
      }) : () -> ()
    } else {
    }
    return
  }
}

</mosaic_0001>

<sc_bundles>
// kernel: sc_gather.3.cloned.1.call-start
scs
__scs_entry_jumppad:
0x0: {  	(pc) =	sbr.rel $0x88, $3  }
0x1: {  	(tag) =	ssettag $0x0;
	lr =	simm.s32 $0x1  }
0x2: {  	[smem:$0x3F9E] =	sst lr;
	_ =	strace $0xD0000000  }
0x3: {  	_ = 	snop  }
0x4: {  	_ = 	snop  }
0x5: {  	_ = 	snop  }
0x6: {  	_ = 	snop  }
0x7: {  	_ = 	snop  }
__scs_overlays_trampoline_lowered:
0x8: {  	[smem:$0x3FAD] =	sst s0  }
0x9: {  	[smem:$0x3FAE] =	sst s1  }
0xa: {  	[smem:$0x3FAF] =	sst s2  }
0xb: {  	[smem:$0x3FB0] =	sst s3  }
0xc: {  	[smem:$0x3FB1] =	sst s4  }
0xd: {  	[smem:$0x3FB2] =	sst s5  }
0xe: {  	[smem:$0x3FB3] =	sst s6  }
0xf: {  	[smem:$0x3FB4] =	sst s7  }
0x10: {  	[smem:$0x3FB5] =	sst s8  }
0x11: {  	[smem:$0x3FB6] =	sst s9;
	s0 =	simm.s32 @!p0 $0x0  }
0x12: {  	s1 =	sld [smem:$0x3F9C];
	s0 =	simm.s32 @p0 $0x1  }
0x13: {  	[smem:$0x3FB7] =	sst s0;
	s0 =	simm.s32 @!p1 $0x0  }
0x14: {  	s2 =	sld [smem:$0x3F9B];
	s0 =	simm.s32 @p1 $0x1  }
0x15: {  	[smem:$0x3FB8] =	sst s0;
	s0 =	simm.s32 @!p2 $0x0  }
0x16: {  	s3 =	sld [smem:$0x3FDB];
	s0 =	simm.s32 @p2 $0x1  }
0x17: {  	s4 =	simm.s32 $0x1BF5;
	[smem:$0x3FBA] =	sst s0  }
0x18: {  	s0 =	sld [smem:$0x3F9D];
	_ =	swait.ge [sflag:s4], $0x0  }
0x19: {  	s7 =	sld [smem:$0x3F9E]  }
0x1a: {  	s8 =	sadd.s32 $0xFFFFE003, lr  }
0x1b: {  	s9 =	sadd.s32 $0xFFFFFEF7, lr;
	s5 =	simm.s32 $0xFFFFFFFF;
	p2 =	slt.u32 s8, $0xFFFFF086  }
0x1c: {  	p1 =	slt.u32 s9, $0xF7A;
	s5 =	simm.s32 @!p2 $0x0  }
0x1d: {  	s5 =	simm.s32 @p1 $0x1;
	p0 =	seq.s32 s7, s2  }
0x1e: {  	s7 =	smul.u32 @!p0 $0xF7A, s2;
	p2 =	seq.s32 @!p0 s5, $0x0  }
0x1f: {  	s9 =	smul.u32 $0xF7A, s1;
	s8 =	simm.s32 @!p0 $0x1BF5;
	p2 =	por !p2, p0  }
0x20: {  	[sflag:s8] =	ssyncset.s32 @!p0 $0xFFFFF086;
	s6 =	sadd.s32 @!p0 s3, s7;
	s7 =	simm.s32 @!p0 $0x108  }
0x21: {  	s3 =	sadd.s32 s3, s9;
	s6 =	sadd.s32 @!p0 $0x88, s6;
	s7 =	simm.s32 @p2 $0x1082  }
0x22: {  	[simem:s7], [sflag:s8] =	dma.local @!p0 [hbm:s6], $0xF7A  }
0x23: {  	s9 =	sor.u32 $0xD0000000, s2;
	s6 =	simm.s32 $0x108;
	_ =	swait.ge @!p0 [sflag:s8], $0x0  }
0x24: {  	s3 =	sadd.s32 $0x88, s3;
	s6 =	simm.s32 @!p1 $0x1082;
	[sflag:s4] =	ssyncset.s32 $0xFFFFF086  }
0x25: {  	[simem:s6], [sflag:s4] =	dma.local [hbm:s3], $0xF7A  }
0x26: {  	[smem:$0x3F9E] =	sst s1;
	(tag) =	ssettag s2;
	_ =	strace s9  }
0x27: {  	s1 =	sld [smem:$0x3FAE]  }
0x28: {  	s2 =	sld [smem:$0x3FAF]  }
0x29: {  	s4 =	sld [smem:$0x3FB1]  }
0x2a: {  	p0 =	seq.s32 s5, $0x0;
	s5 =	sld [smem:$0x3FB2]  }
0x2b: {  	s6 =	sld [smem:$0x3FB3]  }
0x2c: {  	s7 =	sld [smem:$0x3FB4]  }
0x2d: {  	s3 =	simm.s32 $0x108;
	s8 =	sld [smem:$0x3FB5]  }
0x2e: {  	s3 =	simm.s32 @!p0 $0x1082;
	s9 =	sld [smem:$0x3FB6]  }
0x2f: {  	lr =	sadd.s32 s0, s3;
	s0 =	sld [smem:$0x3FAD]  }
0x30: {  	s3 =	sld [smem:$0x3FB0]  }
0x31: {  	[smem:$0x3FB9] =	sst s10  }
0x32: {  	s10 =	sld [smem:$0x3FB7];
	_ =	sdelay $0x3  }
0x33: {  	p0 =	seq.s32 s10, $0x1;
	s10 =	sld [smem:$0x3FB9];
	_ =	sdelay $0x3  }
0x34: {  	[smem:$0x3FB9] =	sst s10  }
0x35: {  	s10 =	sld [smem:$0x3FB8];
	_ =	sdelay $0x3  }
0x36: {  	p1 =	seq.s32 s10, $0x1;
	s10 =	sld [smem:$0x3FB9];
	_ =	sdelay $0x3  }
0x37: {  	[smem:$0x3FB9] =	sst s10  }
0x38: {  	s10 =	sld [smem:$0x3FBA]  }
0x39: {  	_ = 	snop;
	(pc) =	sbr.ind lr, $3  }
0x3a: {  	_ = 	snop  }
0x3b: {  	_ = 	snop  }
0x3c: {  	p2 =	seq.s32 s10, $0x1;
	s10 =	sld [smem:$0x3FB9]  }
0x3d: {  	_ =	shalt  }
0x3e: {  	_ =	shalt  }
0x3f: {  	_ =	shalt  }
0x40: {  	_ =	shalt  }
0x41: {  	_ =	shalt  }
0x42: {  	_ =	shalt  }
0x43: {  	_ =	shalt  }
0x44: {  	_ =	shalt  }
0x45: {  	_ =	shalt  }
0x46: {  	_ =	shalt  }
0x47: {  	_ =	shalt  }
0x48: {  	_ =	shalt  }
0x49: {  	_ =	shalt  }
0x4a: {  	_ =	shalt  }
0x4b: {  	_ =	shalt  }
0x4c: {  	_ =	shalt  }
0x4d: {  	_ =	shalt  }
0x4e: {  	_ =	shalt  }
0x4f: {  	_ =	shalt  }
0x50: {  	_ =	shalt  }
0x51: {  	_ =	shalt  }
0x52: {  	_ =	shalt  }
0x53: {  	_ =	shalt  }
0x54: {  	_ =	shalt  }
0x55: {  	_ =	shalt  }
0x56: {  	_ =	shalt  }
0x57: {  	_ =	shalt  }
0x58: {  	_ =	shalt  }
0x59: {  	_ =	shalt  }
0x5a: {  	_ =	shalt  }
0x5b: {  	_ =	shalt  }
0x5c: {  	_ =	shalt  }
0x5d: {  	_ =	shalt  }
0x5e: {  	_ =	shalt  }
0x5f: {  	_ =	shalt  }
0x60: {  	_ =	shalt  }
0x61: {  	_ =	shalt  }
0x62: {  	_ =	shalt  }
0x63: {  	_ =	shalt  }
0x64: {  	_ =	shalt  }
0x65: {  	_ =	shalt  }
0x66: {  	_ =	shalt  }
0x67: {  	_ =	shalt  }
0x68: {  	_ =	shalt  }
0x69: {  	_ =	shalt  }
0x6a: {  	_ =	shalt  }
0x6b: {  	_ =	shalt  }
0x6c: {  	_ =	shalt  }
0x6d: {  	_ =	shalt  }
0x6e: {  	_ =	shalt  }
0x6f: {  	_ =	shalt  }
0x70: {  	_ =	shalt  }
0x71: {  	_ =	shalt  }
0x72: {  	_ =	shalt  }
0x73: {  	_ =	shalt  }
0x74: {  	_ =	shalt  }
0x75: {  	_ =	shalt  }
0x76: {  	_ =	shalt  }
0x77: {  	_ =	shalt  }
0x78: {  	_ =	shalt  }
0x79: {  	_ =	shalt  }
0x7a: {  	_ =	shalt  }
0x7b: {  	_ =	shalt  }
0x7c: {  	_ =	shalt  }
0x7d: {  	_ =	shalt  }
0x7e: {  	_ =	shalt  }
0x7f: {  	_ =	shalt  }
0x80: {  	_ =	shalt  }
0x81: {  	_ =	shalt  }
0x82: {  	_ =	shalt  }
0x83: {  	_ =	shalt  }
0x84: {  	_ =	shalt  }
0x85: {  	_ =	shalt  }
0x86: {  	_ =	shalt  }
0x87: {  	_ =	shalt  }
.Lfunc_end0:
.L_simem_size_0:
called_computation_lowered:
.L_overlay_start_0:
0x88: {  	s2 =	sld [smem:$0x3FD9]  }
0x89: {  	s3 =	sld [smem:$0x3FFE];
	_ =	sdelay $0x1  }
0x8a: {  	s1 =	srdreg.scid  }
0x8b: {  	s0 =	sand.u32 $0x1, s1  }
0x8c: {  	s15 =	sshll.u32 s0, $0xA;
	s2 =	sadd.s32 s3, s2  }
0x8d: {  	s2 =	sadd.s32 s2, s15  }
0x8e: {  	[smem:$0x3FC5] =	sst s2  }
0x8f: {  	_ = 	snop  }
0x90: {  	s2 =	sld [smem:$0x3FD0]  }
0x91: {  	s16 =	sld [smem:$0x3FC9]  }
0x92: {  	s4 =	sld [smem:$0x3FC8]  }
0x93: {  	s6 =	simm.s32 $0xA;
	s7 =	simm.s32 $0x10;
	s5 =	sld [smem:$0x3FC7]  }
0x94: {  	[smem:s7], [sflag:s6] =	dma.local [hbm:s2], $0x1  }
0x95: {  	_ =	swait.eq [sflag:s6], $0x1  }
0x96: {  	[sflag:s6] =	ssyncset.done $0x0  }
0x97: {  	s17 =	sld [smem:$0x10];
	[sflag:s6] =	ssyncadd.s32 $0xFFFFFFFF  }
0x98: {  	s18 =	sld [smem:$0x11];
	(tm) =	ssettm $0x1  }
0x99: {  	s19 =	sld [smem:$0x3FFB];
	_ =	sdelay $0x3  }
0x9a: {  	_ =	strace s19  }
0x9b: {  	s7 =	sld [smem:$0x3FFC];
	_ =	sdelay $0x3  }
0x9c: {  	_ =	strace s7  }
0x9d: {  	s7 =	sld [smem:$0x3FFD];
	_ =	sdelay $0x3  }
0x9e: {  	_ =	strace s7  }
0x9f: {  	_ =	strace $0x8FFFFFFF  }
0xa0: {  	s20 =	sld [smem:$0x3FDB];
	_ =	sdelay $0x1  }
0xa1: {  	s8 =	simm.s32 $_scs_section_size  }
0xa2: {  	s9 =	simm.s32 $_size__tile_overlayer_lowered;
	s10 =	simm.s32 $_tile_overlayer_lowered  }
0xa3: {  	s23 =	simm.s32 $0x1BFF;
	s22 =	sshll.u32 s10, $0x1;
	s7 =	sadd.s32 s8, s20  }
0xa4: {  	s11 =	simm.s32 $0x0;
	s21 =	sshll.u32 s9, $0x1;
	s9 =	sadd.s32 s22, s7  }
0xa5: {  	[timem:s11], [sflag:s23] =	dma.local [hbm:s9], s21  }
0xa6: {  	_ =	swait.ge [sflag:s23], s21  }
0xa7: {  	s8 =	ssub.s32 $0x0, s21;
	[sflag:s23] =	ssyncset.done $0x0  }
0xa8: {  	[sflag:s23] =	ssyncadd.s32 s8;
	_ =	sdelay $0x1  }
0xa9: {  	s24 =	simm.s32 $0x1B8B  }
0xaa: {  	_ =	swait.ge [sflag:s24], $0x1  }
0xab: {  	[sflag:s24] =	ssyncset.done $0x0  }
0xac: {  	s25 =	simm.s32 $0x1B8E;
	[sflag:s24] =	ssyncadd.s32 $0xFFFFFFFF  }
0xad: {  	s26 =	simm.s32 $execute0_lowered;
	[smem:$0x3FD2] =	sst s25  }
0xae: {  	s8 =	sshll.u32 s26, $0x1;
	_ =	strace $0x80000046;
	[dreg:$0x1] =	wrdreg $0xFFFFFFFF  }
0xaf: {  	s28 =	simm.s32 $_size_execute0_lowered;
	s7 =	sadd.s32 s7, s8;
	[dreg:$0x0] =	wrdreg $0x0  }
0xb0: {  	s8 =	sshll.u32 s28, $0x1;
	[dreg:$0x2] =	wrdreg s7  }
0xb1: {  	[dreg:$0x3] =	wrdreg s8  }
0xb2: {  	[dreg:$0x4] =	wrdreg $0xC0  }
0xb3: {  	_ =	task [dreg:s11], $0x5FFFF  }
0xb4: {  	[dreg:$0x1] =	wrdreg $0xFFFFFFFF  }
0xb5: {  	[dreg:$0x0] =	wrdreg $0x60  }
0xb6: {  	[dreg:$0x2] =	wrdreg s16  }
0xb7: {  	[dreg:$0x3] =	wrdreg s4  }
0xb8: {  	[dreg:$0x4] =	wrdreg s5  }
0xb9: {  	[dreg:$0x5] =	wrdreg s17  }
0xba: {  	[dreg:$0x6] =	wrdreg s18  }
0xbb: {  	[dreg:$0x7] =	wrdreg $0x9  }
0xbc: {  	_ =	task.clear_ibuf [dreg:s11], $0x8FFFF;
	_ =	strace $0x90000046  }
0xbd: {  	s29 =	simm.s32 $0x9;
	_ =	strace $0x80000048  }
0xbe: {  	_ =	swait.ge [sflag:s29], $0x1  }
0xbf: {  	[sflag:s29] =	ssyncadd.s32 $0xFFFFFFFF  }
0xc0: {  	_ =	strace $0x90000048  }
0xc1: {  	_ =	sfence  }
0xc2: {  	s30 =	sld [smem:$0x0];
	_ =	sdelay $0x2  }
0xc3: {  	s31 =	sshll.u32 s1, $0xD;
	s1 =	sshrl.u32 s1, $0x2  }
0xc4: {  	s3 =	sand.u32 $0x4000, s31;
	s1 =	sadd.s32 s1, s30  }
0xc5: {  	s0 =	sor.u32 s3, s0;
	s1 =	sshll.u32 s1, $0x11  }
0xc6: {  	s0 =	sor.u32 s1, s0  }
0xc7: {  	s0 =	sadd.s32 $0x8F2B, s0  }
0xc8: {  	[sflag:s0] =	ssyncadd.remote.s32 $0x1  }
0xc9: {  	_ =	sfence.sel $0xFFFF  }
0xca: {  	[dreg:$0x0] =	wrdreg $0xFFFFFFFF;
	(pc) =	sbr.abs _section_cstart, $3  }
0xcb: {  	[dreg:$0x1] =	wrdreg $0xFFFFFFFF  }
0xcc: {  	_ =	task.clear_ibuf [dreg:s11], $0x2FFFF;
	_ =	strace $0x9FFFFFFF  }
0xcd: {  	(tm) =	ssettm $0x7FFFFFFF  }
tec
execute0_lowered:
.L_overlay_start_1:
0x0: {  	(tag) =	ssettag $0x1  }
0x1: {  	s1 =	rddreg [dreg:$0x1]  }
0x2: {  	s2 =	rddreg [dreg:$0x2]  }
0x3: {  	s3 =	rddreg [dreg:$0x3];
	s0 =	srdreg.scid  }
0x4: {  	s4 =	stileid.u32;
	s5 =	rddreg [dreg:$0x4]  }
0x5: {  	s6 =	sand.u32 $0x1, s0;
	s7 =	sshll.u32 s4, $0x1;
	s0 =	simm.s32 $0x0  }
0x6: {  	s14 =	sadd.s32 $0x10000, s3;
	p0 =	sne.s32 s4, $0x0;
	s8 =	ssub.s32 $0x2, s6  }
0x7: {  	s7 =	sor.u32 s6, s7;
	[smem:$0x7FF] =	sst s0;
	s9 =	sshrl.u32 s8, $0x1  }
0x8: {  	s10 =	sshll.u32 s7, $0x4;
	s21 =	sshll.u32 s7, $0x7;
	s13 =	sshll.u32 s7, $0xB  }
0x9: {  	s8 =	ssub.s32 s8, s9;
	s11 =	sor.u32 $0x200, s10;
	s17 =	sadd.s32 s1, s10  }
0xa: {  	s22 =	sor.u32 $0x26000, s21;
	s24 =	sor.u32 $0x27000, s21;
	s18 =	sadd.s32 s2, s10  }
0xb: {  	s21 =	sadd.s32 $0x10000, s5;
	s7 =	sor.u32 $0x240000, s13;
	s12 =	sadd.s32 s1, s11  }
0xc: {  	s15 =	sshrl.u32 s22, $0x3;
	s11 =	sadd.s32 s2, s11;
	[dreg:$0x6] =	wrdreg s12  }
0xd: {  	s26 =	sshrl.u32 s24, $0x3;
	s23 =	sadd.s32 s1, s15;
	[dreg:$0xb] =	wrdreg s11  }
0xe: {  	s16 =	sshll.u32 s24, $0x4;
	s19 =	sadd.s32 s1, s26;
	[dreg:$0x7] =	wrdreg s23  }
0xf: {  	s24 =	sshll.u32 s6, $0x4;
	s20 =	sadd.s32 s3, s16;
	[dreg:$0x9] =	wrdreg s19  }
0x10: {  	s31 =	sadd.s32 $0x600, s17;
	s15 =	sadd.s32 s2, s15;
	[dreg:$0xa] =	wrdreg s20  }
0x11: {  	s28 =	smov.u32 s18;
	s9 =	sadd.s32 s2, s26;
	[dreg:$0xc] =	wrdreg s15  }
0x12: {  	s12 =	sshll.u32 s22, $0x4;
	s26 =	sadd.s32 s3, s13;
	[dreg:$0xe] =	wrdreg s9  }
0x13: {  	s22 =	sor.u32 $0x400, s10;
	s11 =	simm.s32 $0x4100;
	[dreg:$0x10] =	wrdreg s26  }
0x14: {  	s25 =	sadd.s32 s3, s12;
	s12 =	sadd.s32 s5, s12;
	s26 =	rddreg [dreg:$0x0]  }
0x15: {  	s10 =	sadd.s32 s1, s22;
	s23 =	sshll.u32 s4, $0x5;
	[dreg:$0x8] =	wrdreg s25  }
0x16: {  	s9 =	sadd.s32 s5, s13;
	s19 =	sadd.s32 s7, s14;
	[dreg:$0xd] =	wrdreg s12  }
0x17: {  	s20 =	sadd.s32 s7, s21;
	s12 =	sadd.s32 s2, s22;
	[dreg:$0x12] =	wrdreg s9  }
0x18: {  	s1 =	sadd.s32 s23, s1;
	s2 =	sadd.s32 s23, s2;
	[dreg:$0x14] =	wrdreg s19  }
0x19: {  	s25 =	sadd.s32 s5, s16;
	[dreg:$0x15] =	wrdreg s20;
	s22 =	sshll.u32 s4, $0xC  }
0x1a: {  	s9 =	simm.s32 $0x100;
	s19 =	simm.s32 $0x7;
	[dreg:$0xf] =	wrdreg s25  }
0x1b: {  	s15 =	sadd.s32 s24, s1;
	s16 =	sadd.s32 s24, s2;
	s2 =	sadd.s32 s13, s14  }
0x1c: {  	s13 =	sadd.s32 s13, s21;
	s21 =	sadd.s32 s3, s7;
	s1 =	sadd.s32 s5, s7  }
0x1d: {  	s23 =	sadd.s32 s22, s3;
	s24 =	sshll.u32 s6, $0xB;
	s25 =	smax.u32 s8, $0x1  }
0x1e: {  	s3 =	sadd.s32 $0x4C00, s17;
	s7 =	smov.u32 s12;
	[dreg:$0x11] =	wrdreg s2  }
0x1f: {  	s4 =	sadd.s32 $0x4800, s12;
	s6 =	simm.s32 $0x80;
	[dreg:$0x13] =	wrdreg s13  }
0x20: {  	s8 =	simm.s32 $0x1;
	s14 =	simm.s32 $0x4;
	[dreg:$0x16] =	wrdreg s21  }
0x21: {  	s12 =	simm.s32 $0x0;
	[dreg:$0x17] =	wrdreg s1;
	s2 =	sadd.s32 s22, s5  }
0x22: {  	s1 =	sadd.s32 s24, s23;
	s23 =	smov.u32 s17;
	s5 =	sadd.s32 $0x4C00, s18  }
0x23: {  	s17 =	simm.s32 $0x5;
	s2 =	sadd.s32 s24, s2;
	_ =	strace $0x80000047  }
0x24: {  	[dreg:$0x18] =	wrdreg s25;
	s29 =	sadd.s32 $0x20000, s1;
	s25 =	sadd.s32 $0x600, s18  }
0x25: {  	s24 =	smov.u32 s10;
	s1 =	simm.s32 $0x3;
	s18 =	simm.s32 $0x6  }
0x26: {  	s30 =	sadd.s32 $0x20000, s2;
	s2 =	sadd.s32 $0x4800, s10;
	s10 =	simm.s32 $0x2  }
.LBB2_1:
0x27: {  	[tilespmem:s0], [sflag:$0x1] =	stream.linear.gather [hbm4b:s23+s0], $0x80, $0x38;
	[tilespmem:$0x8100] =	vst v63  }
0x28: {  	s13 =	rddreg [dreg:$0x6]  }
0x29: {  	[tilespmem:s6], [sflag:$0x2] =	stream.linear.gather [hbm4b:s13+s0], $0x80, $0x38;
	[tilespmem:$0x8100] =	vst v63  }
0x2a: {  	_ =	swait.ge [sflag:s8], $0x80  }
0x2b: {  	[sflag:s8] =	ssyncset.done $0x0  }
0x2c: {  	[sflag:s8] =	ssyncadd.s32 $0xFFFFFF80  }
0x2d: {  	[tilespmem:s9], [sflag:$0x3] =	stream.indirect.gather [hbm4b:s26+s6], $0x80, s0, s6, $0xb8;
	[tilespmem:$0x8100] =	vst v63  }
0x2e: {  	_ =	swait.ge [sflag:s10], $0x80  }
0x2f: {  	[sflag:s10] =	ssyncset.done $0x0  }
0x30: {  	[sflag:s10] =	ssyncadd.s32 $0xFFFFFF80  }
0x31: {  	[tilespmem:s11], [sflag:$0x4] =	stream.indirect.gather [hbm4b:s26+s6], $0x80, s6, s6, $0xb8;
	[tilespmem:$0x8100] =	vst v63  }
0x32: {  	_ =	swait.ge [sflag:s1], $0x4000  }
0x33: {  	[sflag:s1] =	ssyncset.done $0x0  }
0x34: {  	s22 =	rddreg [dreg:$0x10];
	[sflag:s1] =	ssyncadd.s32 $0xFFFFC000  }
0x35: {  	[hbm4b:s22+s0] =	stream.linear.scatter [tilespmem:s9], [sflag:$0x5], $0x4000, $0x38;
	[tilespmem:$0x8100] =	vst v63  }
0x36: {  	_ = 	snop  }
0x37: {  	[tilespmem:s0], [sflag:$0x1] =	stream.linear.gather [hbm4b:s24+s0], $0x80, $0x38;
	[tilespmem:$0x8100] =	vst v63  }
0x38: {  	_ =	swait.ge [sflag:s14], $0x4000  }
0x39: {  	[sflag:s14] =	ssyncset.done $0x0  }
0x3a: {  	s20 =	rddreg [dreg:$0x11];
	[sflag:s14] =	ssyncadd.s32 $0xFFFFC000  }
0x3b: {  	[hbm4b:s20+s0] =	stream.linear.scatter [tilespmem:s11], [sflag:$0x6], $0x4000, $0x38;
	[tilespmem:$0x8100] =	vst v63  }
0x3c: {  	_ = 	snop  }
0x3d: {  	[tilespmem:s6], [sflag:$0x2] =	stream.linear.gather [hbm4b:s31+s0], $0x80, $0x38;
	[tilespmem:$0x8100] =	vst v63  }
0x3e: {  	_ =	swait.ge [sflag:s8], $0x80  }
0x3f: {  	[sflag:s8] =	ssyncset.done $0x0  }
0x40: {  	[sflag:s8] =	ssyncadd.s32 $0xFFFFFF80  }
0x41: {  	_ =	swait.ge [sflag:s17], $0x4000  }
0x42: {  	[sflag:s17] =	ssyncset.done $0x0  }
0x43: {  	[sflag:s17] =	ssyncadd.s32 $0xFFFFC000  }
0x44: {  	[tilespmem:s9], [sflag:$0x3] =	stream.indirect.gather [hbm4b:s26+s6], $0x80, s0, s6, $0xb8;
	[tilespmem:$0x8100] =	vst v63  }
0x45: {  	_ =	swait.ge [sflag:s10], $0x80  }
0x46: {  	[sflag:s10] =	ssyncset.done $0x0  }
0x47: {  	[sflag:s10] =	ssyncadd.s32 $0xFFFFFF80  }
0x48: {  	_ =	swait.ge [sflag:s18], $0x4000  }
0x49: {  	[sflag:s18] =	ssyncset.done $0x0  }
0x4a: {  	[sflag:s18] =	ssyncadd.s32 $0xFFFFC000  }
0x4b: {  	[tilespmem:s11], [sflag:$0x4] =	stream.indirect.gather [hbm4b:s26+s6], $0x80, s6, s6, $0xb8;
	[tilespmem:$0x8100] =	vst v63  }
0x4c: {  	_ =	swait.ge [sflag:s1], $0x4000  }
0x4d: {  	[sflag:s1] =	ssyncset.done $0x0  }
0x4e: {  	s21 =	sadd.s32 $0x0, s15;
	[sflag:s1] =	ssyncadd.s32 $0xFFFFC000  }
0x4f: {  	[hbm4b:s29+s0] =	stream.linear.scatter [tilespmem:s9], [sflag:$0x5], $0x4000, $0x38;
	[tilespmem:$0x8100] =	vst v63  }
0x50: {  	s20 =	sadd.s32 $0x800, s21  }
0x51: {  	[tilespmem:s0], [sflag:$0x1] =	stream.linear.gather [hbm4b:s20+s0], $0x80, $0x38;
	[tilespmem:$0x8100] =	vst v63  }
0x52: {  	_ =	swait.ge [sflag:s14], $0x4000  }
0x53: {  	s13 =	sadd.s32 $0x20000, s29;
	s22 =	sadd.s32 $0x10000, s29;
	[sflag:s14] =	ssyncset.done $0x0  }
0x54: {  	s21 =	sadd.s32 $0xA00, s21;
	s20 =	simm.s32 $0x400;
	[sflag:s14] =	ssyncadd.s32 $0xFFFFC000  }
0x55: {  	[hbm4b:s22+s0] =	stream.linear.scatter [tilespmem:s11], [sflag:$0x6], $0x4000, $0x38;
	[tilespmem:$0x8100] =	vst v63  }
.LBB2_2:
0x56: {  	[tilespmem:s6], [sflag:$0x2] =	stream.linear.gather [hbm4b:s21+s0], $0x80, $0x38;
	[tilespmem:$0x8100] =	vst v63  }
0x57: {  	s21 =	smov.u32 s20  }
0x58: {  	p1 =	sne.s32 s20, $0x4000;
	s20 =	sadd.s32 $0x400, s20;
	_ =	swait.ge [sflag:s8], $0x80  }
0x59: {  	[sflag:s8] =	ssyncset.done $0x0  }
0x5a: {  	[sflag:s8] =	ssyncadd.s32 $0xFFFFFF80  }
0x5b: {  	_ =	swait.ge [sflag:s17], $0x4000  }
0x5c: {  	[sflag:s17] =	ssyncset.done $0x0  }
0x5d: {  	[sflag:s17] =	ssyncadd.s32 $0xFFFFC000  }
0x5e: {  	[tilespmem:s9], [sflag:$0x3] =	stream.indirect.gather [hbm4b:s26+s6], $0x80, s0, s6, $0xb8;
	[tilespmem:$0x8100] =	vst v63  }
0x5f: {  	_ =	swait.ge [sflag:s10], $0x80  }
0x60: {  	[sflag:s10] =	ssyncset.done $0x0  }
0x61: {  	[sflag:s10] =	ssyncadd.s32 $0xFFFFFF80  }
0x62: {  	_ =	swait.ge [sflag:s18], $0x4000  }
0x63: {  	[sflag:s18] =	ssyncset.done $0x0  }
0x64: {  	[sflag:s18] =	ssyncadd.s32 $0xFFFFC000  }
0x65: {  	[tilespmem:s11], [sflag:$0x4] =	stream.indirect.gather [hbm4b:s26+s6], $0x80, s6, s6, $0xb8;
	[tilespmem:$0x8100] =	vst v63  }
0x66: {  	_ =	swait.ge [sflag:s1], $0x4000  }
0x67: {  	[sflag:s1] =	ssyncset.done $0x0  }
0x68: {  	s21 =	sadd.s32 s21, s15;
	[sflag:s1] =	ssyncadd.s32 $0xFFFFC000  }
0x69: {  	[hbm4b:s13+s0] =	stream.linear.scatter [tilespmem:s9], [sflag:$0x5], $0x4000, $0x38;
	[tilespmem:$0x8100] =	vst v63  }
0x6a: {  	s22 =	sadd.s32 $0x800, s21  }
0x6b: {  	[tilespmem:s0], [sflag:$0x1] =	stream.linear.gather [hbm4b:s22+s0], $0x80, $0x38;
	[tilespmem:$0x8100] =	vst v63  }
.Ltmp0:
0x6c: {  	_ =	swait.ge [sflag:s14], $0x4000;
	(pc) =	sbr.rel @p1 .LBB2_2-.Ltmp0, $4  }
0x6d: {  	[sflag:s14] =	ssyncset.done $0x0  }
0x6e: {  	s22 =	sadd.s32 $0x10000, s13;
	[sflag:s14] =	ssyncadd.s32 $0xFFFFC000  }
0x6f: {  	[hbm4b:s22+s0] =	stream.linear.scatter [tilespmem:s11], [sflag:$0x6], $0x4000, $0x38;
	[tilespmem:$0x8100] =	vst v63  }
0x70: {  	s21 =	sadd.s32 $0xA00, s21;
	s13 =	sadd.s32 $0x20000, s13  }
0x71: {  	[tilespmem:s6], [sflag:$0x2] =	stream.linear.gather [hbm4b:s21+s0], $0x80, $0x38;
	[tilespmem:$0x8100] =	vst v63  }
0x72: {  	_ =	swait.ge [sflag:s8], $0x80  }
0x73: {  	[sflag:s8] =	ssyncset.done $0x0  }
0x74: {  	[sflag:s8] =	ssyncadd.s32 $0xFFFFFF80  }
0x75: {  	_ =	swait.ge [sflag:s17], $0x4000  }
0x76: {  	[sflag:s17] =	ssyncset.done $0x0  }
0x77: {  	[sflag:s17] =	ssyncadd.s32 $0xFFFFC000  }
0x78: {  	[tilespmem:s9], [sflag:$0x3] =	stream.indirect.gather [hbm4b:s26+s6], $0x80, s0, s6, $0xb8;
	[tilespmem:$0x8100] =	vst v63  }
0x79: {  	_ =	swait.ge [sflag:s10], $0x80  }
0x7a: {  	[sflag:s10] =	ssyncset.done $0x0  }
0x7b: {  	[sflag:s10] =	ssyncadd.s32 $0xFFFFFF80  }
0x7c: {  	_ =	swait.ge [sflag:s18], $0x4000  }
0x7d: {  	[sflag:s18] =	ssyncset.done $0x0  }
0x7e: {  	[sflag:s18] =	ssyncadd.s32 $0xFFFFC000  }
0x7f: {  	[tilespmem:s11], [sflag:$0x4] =	stream.indirect.gather [hbm4b:s26+s6], $0x80, s6, s6, $0xb8;
	[tilespmem:$0x8100] =	vst v63  }
0x80: {  	_ =	swait.ge [sflag:s1], $0x4000  }
0x81: {  	[sflag:s1] =	ssyncset.done $0x0  }
0x82: {  	s13 =	rddreg [dreg:$0x16];
	[sflag:s1] =	ssyncadd.s32 $0xFFFFC000  }
0x83: {  	[hbm4b:s13+s0] =	stream.linear.scatter [tilespmem:s9], [sflag:$0x5], $0x4000, $0x38;
	[tilespmem:$0x8100] =	vst v63  }
0x84: {  	_ = 	snop  }
0x85: {  	[tilespmem:s0], [sflag:$0x1] =	stream.linear.gather [hbm4b:s2+s0], $0x80, $0x38;
	[tilespmem:$0x8100] =	vst v63  }
0x86: {  	_ =	swait.ge [sflag:s14], $0x4000  }
0x87: {  	[sflag:s14] =	ssyncset.done $0x0  }
0x88: {  	s22 =	rddreg [dreg:$0x14];
	[sflag:s14] =	ssyncadd.s32 $0xFFFFC000  }
0x89: {  	[hbm4b:s22+s0] =	stream.linear.scatter [tilespmem:s11], [sflag:$0x6], $0x4000, $0x38;
	[tilespmem:$0x8100] =	vst v63  }
0x8a: {  	_ = 	snop  }
0x8b: {  	[tilespmem:s6], [sflag:$0x2] =	stream.linear.gather [hbm4b:s3+s0], $0x80, $0x38;
	[tilespmem:$0x8100] =	vst v63  }
0x8c: {  	_ =	swait.ge [sflag:s17], $0x4000  }
0x8d: {  	[sflag:s17] =	ssyncset.done $0x0  }
0x8e: {  	[sflag:s17] =	ssyncadd.s32 $0xFFFFC000  }
0x8f: {  	_ =	swait.ge [sflag:s8], $0x80  }
0x90: {  	[sflag:s8] =	ssyncset.done $0x0  }
0x91: {  	[sflag:s8] =	ssyncadd.s32 $0xFFFFFF80  }
0x92: {  	_ =	swait.ge [sflag:s18], $0x4000  }
0x93: {  	[sflag:s18] =	ssyncset.done $0x0  }
0x94: {  	[sflag:s18] =	ssyncadd.s32 $0xFFFFC000  }
0x95: {  	_ =	swait.ge [sflag:s10], $0x80  }
0x96: {  	[sflag:s10] =	ssyncset.done $0x0  }
0x97: {  	s20 =	rddreg [dreg:$0x7];
	[sflag:s10] =	ssyncadd.s32 $0xFFFFFF80  }
0x98: {  	[tilespmem:s0], [sflag:$0x7] =	stream.linear.gather [hbm4b:s20+s0], $0x80, $0x38;
	[tilespmem:$0x8100] =	vst v63  }
0x99: {  	_ =	swait.ge [sflag:s19], $0x80  }
0x9a: {  	[sflag:s19] =	ssyncset.done $0x0  }
0x9b: {  	[sflag:s19] =	ssyncadd.s32 $0xFFFFFF80  }
0x9c: {  	[tilespmem:s9], [sflag:$0x3] =	stream.indirect.gather [hbm4b:s26+s6], $0x80, s0, s6, $0xb8;
	[tilespmem:$0x8100] =	vst v63  }
0x9d: {  	_ =	swait.ge [sflag:s1], $0x4000  }
0x9e: {  	[sflag:s1] =	ssyncset.done $0x0  }
0x9f: {  	s21 =	rddreg [dreg:$0x8];
	[sflag:s1] =	ssyncadd.s32 $0xFFFFC000  }
0xa0: {  	[hbm4b:s21+s0] =	stream.linear.scatter [tilespmem:s9], [sflag:$0x7], $0x4000, $0x38;
	[tilespmem:$0x8100] =	vst v63  }
0xa1: {  	_ =	swait.ge [sflag:s19], $0x4000  }
0xa2: {  	[sflag:s19] =	ssyncset.done $0x0  }
0xa3: {  	s13 =	simm.s32 @!p0 $0x0;
	s20 =	rddreg [dreg:$0x9];
	[sflag:s19] =	ssyncadd.s32 $0xFFFFC000  }
0xa4: {  	[tilespmem:s13], [sflag:$0x7] =	stream.linear.gather @!p0 [hbm4b:s20+s13], $0x80, $0x38;
	[tilespmem:$0x8100] =	vst v63  }
0xa5: {  	s20 =	simm.s32 @!p0 $0x7  }
0xa6: {  	_ =	swait.ge @!p0 [sflag:s20], $0x80  }
0xa7: {  	[sflag:s20] =	ssyncset.done @!p0 $0x0  }
0xa8: {  	s22 =	simm.s32 @!p0 $0x100;
	s21 =	simm.s32 @!p0 $0x80;
	[sflag:s20] =	ssyncadd.s32 @!p0 $0xFFFFFF80  }
0xa9: {  	[tilespmem:s22], [sflag:$0x3] =	stream.indirect.gather @!p0 [hbm4b:s26+s21], $0x80, s13, s21, $0xb8;
	[tilespmem:$0x8100] =	vst v63  }
0xaa: {  	s21 =	simm.s32 @!p0 $0x3  }
0xab: {  	_ =	swait.ge @!p0 [sflag:s21], $0x4000  }
0xac: {  	[sflag:s21] =	ssyncset.done @!p0 $0x0  }
0xad: {  	[sflag:s21] =	ssyncadd.s32 @!p0 $0xFFFFC000;
	s21 =	rddreg [dreg:$0xa]  }
0xae: {  	[hbm4b:s21+s13] =	stream.linear.scatter @!p0 [tilespmem:s22], [sflag:$0x7], $0x4000, $0x38;
	[tilespmem:$0x8100] =	vst v63  }
0xaf: {  	_ =	swait.ge @!p0 [sflag:s20], $0x4000  }
0xb0: {  	[sflag:s20] =	ssyncset.done @!p0 $0x0  }
0xb1: {  	s13 =	simm.s32 $0x0;
	[sflag:s20] =	ssyncadd.s32 @!p0 $0xFFFFC000  }
0xb2: {  	[tilespmem:s13], [sflag:$0x1] =	stream.linear.gather [hbm4b:s28+s13], $0x80, $0x38;
	[tilespmem:$0x8100] =	vst v63  }
0xb3: {  	s22 =	rddreg [dreg:$0xb]  }
0xb4: {  	[tilespmem:s6], [sflag:$0x2] =	stream.linear.gather [hbm4b:s22+s13], $0x80, $0x38;
	[tilespmem:$0x8100] =	vst v63  }
0xb5: {  	_ =	swait.ge [sflag:s8], $0x80  }
0xb6: {  	[sflag:s8] =	ssyncset.done $0x0  }
0xb7: {  	[sflag:s8] =	ssyncadd.s32 $0xFFFFFF80  }
0xb8: {  	[tilespmem:s9], [sflag:$0x3] =	stream.indirect.gather [hbm4b:s26+s6], $0x80, s13, s6, $0xb8;
	[tilespmem:$0x8100] =	vst v63  }
0xb9: {  	_ =	swait.ge [sflag:s10], $0x80  }
0xba: {  	[sflag:s10] =	ssyncset.done $0x0  }
0xbb: {  	[sflag:s10] =	ssyncadd.s32 $0xFFFFFF80  }
0xbc: {  	[tilespmem:s11], [sflag:$0x4] =	stream.indirect.gather [hbm4b:s26+s6], $0x80, s6, s6, $0xb8;
	[tilespmem:$0x8100] =	vst v63  }
0xbd: {  	_ =	swait.ge [sflag:s1], $0x4000  }
0xbe: {  	[sflag:s1] =	ssyncset.done $0x0  }
0xbf: {  	s21 =	rddreg [dreg:$0x12];
	[sflag:s1] =	ssyncadd.s32 $0xFFFFC000  }
0xc0: {  	[hbm4b:s21+s13] =	stream.linear.scatter [tilespmem:s9], [sflag:$0x5], $0x4000, $0x38;
	[tilespmem:$0x8100] =	vst v63  }
0xc1: {  	_ = 	snop  }
0xc2: {  	[tilespmem:s13], [sflag:$0x1] =	stream.linear.gather [hbm4b:s7+s13], $0x80, $0x38;
	[tilespmem:$0x8100] =	vst v63  }
0xc3: {  	_ =	swait.ge [sflag:s14], $0x4000  }
0xc4: {  	[sflag:s14] =	ssyncset.done $0x0  }
0xc5: {  	s22 =	rddreg [dreg:$0x13];
	[sflag:s14] =	ssyncadd.s32 $0xFFFFC000  }
0xc6: {  	[hbm4b:s22+s13] =	stream.linear.scatter [tilespmem:s11], [sflag:$0x6], $0x4000, $0x38;
	[tilespmem:$0x8100] =	vst v63  }
0xc7: {  	_ = 	snop  }
0xc8: {  	[tilespmem:s6], [sflag:$0x2] =	stream.linear.gather [hbm4b:s25+s13], $0x80, $0x38;
	[tilespmem:$0x8100] =	vst v63  }
0xc9: {  	_ =	swait.ge [sflag:s8], $0x80  }
0xca: {  	[sflag:s8] =	ssyncset.done $0x0  }
0xcb: {  	[sflag:s8] =	ssyncadd.s32 $0xFFFFFF80  }
0xcc: {  	_ =	swait.ge [sflag:s17], $0x4000  }
0xcd: {  	[sflag:s17] =	ssyncset.done $0x0  }
0xce: {  	[sflag:s17] =	ssyncadd.s32 $0xFFFFC000  }
0xcf: {  	[tilespmem:s9], [sflag:$0x3] =	stream.indirect.gather [hbm4b:s26+s6], $0x80, s0, s6, $0xb8;
	[tilespmem:$0x8100] =	vst v63  }
0xd0: {  	_ =	swait.ge [sflag:s10], $0x80  }
0xd1: {  	[sflag:s10] =	ssyncset.done $0x0  }
0xd2: {  	[sflag:s10] =	ssyncadd.s32 $0xFFFFFF80  }
0xd3: {  	_ =	swait.ge [sflag:s18], $0x4000  }
0xd4: {  	[sflag:s18] =	ssyncset.done $0x0  }
0xd5: {  	[sflag:s18] =	ssyncadd.s32 $0xFFFFC000  }
0xd6: {  	[tilespmem:s11], [sflag:$0x4] =	stream.indirect.gather [hbm4b:s26+s6], $0x80, s6, s6, $0xb8;
	[tilespmem:$0x8100] =	vst v63  }
0xd7: {  	_ =	swait.ge [sflag:s1], $0x4000  }
0xd8: {  	[sflag:s1] =	ssyncset.done $0x0  }
0xd9: {  	s13 =	sadd.s32 $0x0, s16;
	[sflag:s1] =	ssyncadd.s32 $0xFFFFC000  }
0xda: {  	[hbm4b:s30+s0] =	stream.linear.scatter [tilespmem:s9], [sflag:$0x5], $0x4000, $0x38;
	[tilespmem:$0x8100] =	vst v63  }
0xdb: {  	s21 =	sadd.s32 $0x800, s13  }
0xdc: {  	[tilespmem:s0], [sflag:$0x1] =	stream.linear.gather [hbm4b:s21+s0], $0x80, $0x38;
	[tilespmem:$0x8100] =	vst v63  }
0xdd: {  	_ =	swait.ge [sflag:s14], $0x4000  }
0xde: {  	s20 =	simm.s32 $0x400;
	s22 =	sadd.s32 $0x10000, s30;
	[sflag:s14] =	ssyncset.done $0x0  }
0xdf: {  	s21 =	sadd.s32 $0xA00, s13;
	s13 =	sadd.s32 $0x20000, s30;
	[sflag:s14] =	ssyncadd.s32 $0xFFFFC000  }
0xe0: {  	[hbm4b:s22+s0] =	stream.linear.scatter [tilespmem:s11], [sflag:$0x6], $0x4000, $0x38;
	[tilespmem:$0x8100] =	vst v63  }
.LBB2_4:
0xe1: {  	[tilespmem:s6], [sflag:$0x2] =	stream.linear.gather [hbm4b:s21+s0], $0x80, $0x38;
	[tilespmem:$0x8100] =	vst v63  }
0xe2: {  	s21 =	smov.u32 s20  }
0xe3: {  	p1 =	sne.s32 s20, $0x4000;
	s20 =	sadd.s32 $0x400, s20;
	_ =	swait.ge [sflag:s8], $0x80  }
0xe4: {  	[sflag:s8] =	ssyncset.done $0x0  }
0xe5: {  	[sflag:s8] =	ssyncadd.s32 $0xFFFFFF80  }
0xe6: {  	_ =	swait.ge [sflag:s17], $0x4000  }
0xe7: {  	[sflag:s17] =	ssyncset.done $0x0  }
0xe8: {  	[sflag:s17] =	ssyncadd.s32 $0xFFFFC000  }
0xe9: {  	[tilespmem:s9], [sflag:$0x3] =	stream.indirect.gather [hbm4b:s26+s6], $0x80, s0, s6, $0xb8;
	[tilespmem:$0x8100] =	vst v63  }
0xea: {  	_ =	swait.ge [sflag:s10], $0x80  }
0xeb: {  	[sflag:s10] =	ssyncset.done $0x0  }
0xec: {  	[sflag:s10] =	ssyncadd.s32 $0xFFFFFF80  }
0xed: {  	_ =	swait.ge [sflag:s18], $0x4000  }
0xee: {  	[sflag:s18] =	ssyncset.done $0x0  }
0xef: {  	[sflag:s18] =	ssyncadd.s32 $0xFFFFC000  }
0xf0: {  	[tilespmem:s11], [sflag:$0x4] =	stream.indirect.gather [hbm4b:s26+s6], $0x80, s6, s6, $0xb8;
	[tilespmem:$0x8100] =	vst v63  }
0xf1: {  	_ =	swait.ge [sflag:s1], $0x4000  }
0xf2: {  	[sflag:s1] =	ssyncset.done $0x0  }
0xf3: {  	s21 =	sadd.s32 s21, s16;
	[sflag:s1] =	ssyncadd.s32 $0xFFFFC000  }
0xf4: {  	[hbm4b:s13+s0] =	stream.linear.scatter [tilespmem:s9], [sflag:$0x5], $0x4000, $0x38;
	[tilespmem:$0x8100] =	vst v63  }
0xf5: {  	s22 =	sadd.s32 $0x800, s21  }
0xf6: {  	[tilespmem:s0], [sflag:$0x1] =	stream.linear.gather [hbm4b:s22+s0], $0x80, $0x38;
	[tilespmem:$0x8100] =	vst v63  }
.Ltmp1:
0xf7: {  	_ =	swait.ge [sflag:s14], $0x4000;
	(pc) =	sbr.rel @p1 .LBB2_4-.Ltmp1, $4  }
0xf8: {  	[sflag:s14] =	ssyncset.done $0x0  }
0xf9: {  	s22 =	sadd.s32 $0x10000, s13;
	[sflag:s14] =	ssyncadd.s32 $0xFFFFC000  }
0xfa: {  	[hbm4b:s22+s0] =	stream.linear.scatter [tilespmem:s11], [sflag:$0x6], $0x4000, $0x38;
	[tilespmem:$0x8100] =	vst v63  }
0xfb: {  	s21 =	sadd.s32 $0xA00, s21;
	s13 =	sadd.s32 $0x20000, s13  }
0xfc: {  	[tilespmem:s6], [sflag:$0x2] =	stream.linear.gather [hbm4b:s21+s0], $0x80, $0x38;
	[tilespmem:$0x8100] =	vst v63  }
0xfd: {  	_ =	swait.ge [sflag:s8], $0x80  }
0xfe: {  	[sflag:s8] =	ssyncset.done $0x0  }
0xff: {  	[sflag:s8] =	ssyncadd.s32 $0xFFFFFF80  }
0x100: {  	_ =	swait.ge [sflag:s17], $0x4000  }
0x101: {  	[sflag:s17] =	ssyncset.done $0x0  }
0x102: {  	[sflag:s17] =	ssyncadd.s32 $0xFFFFC000  }
0x103: {  	[tilespmem:s9], [sflag:$0x3] =	stream.indirect.gather [hbm4b:s26+s6], $0x80, s0, s6, $0xb8;
	[tilespmem:$0x8100] =	vst v63  }
0x104: {  	_ =	swait.ge [sflag:s10], $0x80  }
0x105: {  	[sflag:s10] =	ssyncset.done $0x0  }
0x106: {  	[sflag:s10] =	ssyncadd.s32 $0xFFFFFF80  }
0x107: {  	_ =	swait.ge [sflag:s18], $0x4000  }
0x108: {  	[sflag:s18] =	ssyncset.done $0x0  }
0x109: {  	[sflag:s18] =	ssyncadd.s32 $0xFFFFC000  }
0x10a: {  	[tilespmem:s11], [sflag:$0x4] =	stream.indirect.gather [hbm4b:s26+s6], $0x80, s6, s6, $0xb8;
	[tilespmem:$0x8100] =	vst v63  }
0x10b: {  	_ =	swait.ge [sflag:s1], $0x4000  }
0x10c: {  	[sflag:s1] =	ssyncset.done $0x0  }
0x10d: {  	s13 =	rddreg [dreg:$0x17];
	[sflag:s1] =	ssyncadd.s32 $0xFFFFC000  }
0x10e: {  	[hbm4b:s13+s0] =	stream.linear.scatter [tilespmem:s9], [sflag:$0x5], $0x4000, $0x38;
	[tilespmem:$0x8100] =	vst v63  }
0x10f: {  	_ = 	snop  }
0x110: {  	[tilespmem:s0], [sflag:$0x1] =	stream.linear.gather [hbm4b:s4+s0], $0x80, $0x38;
	[tilespmem:$0x8100] =	vst v63  }
0x111: {  	_ =	swait.ge [sflag:s14], $0x4000  }
0x112: {  	[sflag:s14] =	ssyncset.done $0x0  }
0x113: {  	s22 =	rddreg [dreg:$0x15];
	[sflag:s14] =	ssyncadd.s32 $0xFFFFC000  }
0x114: {  	[hbm4b:s22+s0] =	stream.linear.scatter [tilespmem:s11], [sflag:$0x6], $0x4000, $0x38;
	[tilespmem:$0x8100] =	vst v63  }
0x115: {  	_ = 	snop  }
0x116: {  	[tilespmem:s6], [sflag:$0x2] =	stream.linear.gather [hbm4b:s5+s0], $0x80, $0x38;
	[tilespmem:$0x8100] =	vst v63  }
0x117: {  	_ =	swait.ge [sflag:s17], $0x4000  }
0x118: {  	[sflag:s17] =	ssyncset.done $0x0  }
0x119: {  	[sflag:s17] =	ssyncadd.s32 $0xFFFFC000  }
0x11a: {  	_ =	swait.ge [sflag:s8], $0x80  }
0x11b: {  	[sflag:s8] =	ssyncset.done $0x0  }
0x11c: {  	[sflag:s8] =	ssyncadd.s32 $0xFFFFFF80  }
0x11d: {  	_ =	swait.ge [sflag:s18], $0x4000  }
0x11e: {  	[sflag:s18] =	ssyncset.done $0x0  }
0x11f: {  	[sflag:s18] =	ssyncadd.s32 $0xFFFFC000  }
0x120: {  	_ =	swait.ge [sflag:s10], $0x80  }
0x121: {  	[sflag:s10] =	ssyncset.done $0x0  }
0x122: {  	s20 =	rddreg [dreg:$0xc];
	[sflag:s10] =	ssyncadd.s32 $0xFFFFFF80  }
0x123: {  	[tilespmem:s0], [sflag:$0x7] =	stream.linear.gather [hbm4b:s20+s0], $0x80, $0x38;
	[tilespmem:$0x8100] =	vst v63  }
0x124: {  	_ =	swait.ge [sflag:s19], $0x80  }
0x125: {  	[sflag:s19] =	ssyncset.done $0x0  }
0x126: {  	[sflag:s19] =	ssyncadd.s32 $0xFFFFFF80  }
0x127: {  	[tilespmem:s9], [sflag:$0x3] =	stream.indirect.gather [hbm4b:s26+s6], $0x80, s0, s6, $0xb8;
	[tilespmem:$0x8100] =	vst v63  }
0x128: {  	_ =	swait.ge [sflag:s1], $0x4000  }
0x129: {  	[sflag:s1] =	ssyncset.done $0x0  }
0x12a: {  	s21 =	rddreg [dreg:$0xd];
	[sflag:s1] =	ssyncadd.s32 $0xFFFFC000  }
0x12b: {  	[hbm4b:s21+s0] =	stream.linear.scatter [tilespmem:s9], [sflag:$0x7], $0x4000, $0x38;
	[tilespmem:$0x8100] =	vst v63  }
0x12c: {  	_ =	swait.ge [sflag:s19], $0x4000  }
0x12d: {  	[sflag:s19] =	ssyncset.done $0x0  }
0x12e: {  	s13 =	simm.s32 @!p0 $0x0;
	s20 =	rddreg [dreg:$0xe];
	[sflag:s19] =	ssyncadd.s32 $0xFFFFC000  }
0x12f: {  	[tilespmem:s13], [sflag:$0x7] =	stream.linear.gather @!p0 [hbm4b:s20+s13], $0x80, $0x38;
	[tilespmem:$0x8100] =	vst v63  }
0x130: {  	s20 =	simm.s32 @!p0 $0x7  }
0x131: {  	_ =	swait.ge @!p0 [sflag:s20], $0x80  }
0x132: {  	[sflag:s20] =	ssyncset.done @!p0 $0x0  }
0x133: {  	s22 =	simm.s32 @!p0 $0x100;
	s21 =	simm.s32 @!p0 $0x80;
	[sflag:s20] =	ssyncadd.s32 @!p0 $0xFFFFFF80  }
0x134: {  	[tilespmem:s22], [sflag:$0x3] =	stream.indirect.gather @!p0 [hbm4b:s26+s21], $0x80, s13, s21, $0xb8;
	[tilespmem:$0x8100] =	vst v63  }
0x135: {  	s21 =	simm.s32 @!p0 $0x3  }
0x136: {  	_ =	swait.ge @!p0 [sflag:s21], $0x4000  }
0x137: {  	[sflag:s21] =	ssyncset.done @!p0 $0x0  }
0x138: {  	[sflag:s21] =	ssyncadd.s32 @!p0 $0xFFFFC000;
	s21 =	rddreg [dreg:$0xf]  }
0x139: {  	[hbm4b:s21+s13] =	stream.linear.scatter @!p0 [tilespmem:s22], [sflag:$0x7], $0x4000, $0x38;
	[tilespmem:$0x8100] =	vst v63  }
0x13a: {  	_ =	swait.ge @!p0 [sflag:s20], $0x4000  }
0x13b: {  	s12 =	sadd.s32 $0x1, s12;
	s22 =	rddreg [dreg:$0x18]  }
0x13c: {  	p1 =	sne.s32 s12, s22  }
.Ltmp2:
0x13d: {  	_ = 	snop;
	(pc) =	sbr.rel @p1 .LBB2_1-.Ltmp2, $3  }
0x13e: {  	_ =	sdelay $0x1  }
0x13f: {  	[sflag:s20] =	ssyncset.done @!p0 $0x0  }
0x140: {  	[sflag:s20] =	ssyncadd.s32 @!p0 $0xFFFFC000  }
0x141: {  	_ =	sfence.sel $0x180000  }
0x142: {  	[bflag:$0x0] =	sbarrier.arrive $0xFFFF  }
0x143: {  	_ =	strace $0x90000047  }
0x144: {  	[bflag:$0x2] =	sbarrier.arrive $0xFFFF  }
0x145: {  	s0 =	rddreg [dreg:$0x5]  }
0x146: {  	s0 =	sadd.s32 @!p0 $0x100000, s0  }
0x147: {  	[sflag:s0] =	ssyncadd.tile.s32 @!p0 $0x1;
	_ =	shalt  }
.Lfunc_end2:
_tile_overlayer_lowered:
.L_overlay_start_2:
0x148: {  	(tag) =	ssettag $0x2  }
0x149: {  	s0 =	rddreg [dreg:$0x0];
	s2 =	stileid.u32  }
0x14a: {  	s1 =	rddreg [dreg:$0x1];
	p0 =	sne.s32 s2, $0x0  }
0x14b: {  	s3 =	rddreg [dreg:$0x2];
	[bflag:$0x3] =	sbarrier.arrive $0xFFFF;
	s2 =	simm.s32 @!p0 $0x1C07  }
0x14c: {  	[timem:s3], [sflag:s2] =	dma.local @!p0 [hbm:s0], s1  }
0x14d: {  	s0 =	simm.s32 @!p0 $0x7  }
0x14e: {  	_ =	swait.ge @!p0 [sflag:s0], s1  }
0x14f: {  	s1 =	ssub.s32 @!p0 $0x0, s1;
	[sflag:s0] =	ssyncset.done @!p0 $0x0  }
0x150: {  	[sflag:s0] =	ssyncadd.s32 @!p0 s1  }
0x151: {  	[bflag:$0x3] =	sbarrier.arrive $0xFFFF  }
0x152: {  	_ =	shalt  }

</sc_bundles>
